<compile_context>
chip_gen: v7x
topology: tpu7x:2x2x1
jax: 0.10.2.dev20260603
libtpu: 0.0.44.dev20260713+nightly
codegen_flags: <defaults>
</compile_context>

<pallas_src>
import jax
import jax.numpy as jnp
from jax import lax
from jax.experimental import pallas as pl
from jax.experimental.pallas import tpu as pltpu, tpu_sc as plsc

NC, NS = 2, 16
NW = NC * NS
K = 8
NB = 2


def _gather_body(table_hbm, idx_hbm, out_hbm, idx_full, rows_v, *sems):
    gsem = sems[:NB]
    wsem = sems[NB:]
    wid = lax.axis_index("s") * NC + lax.axis_index("c")
    nb = idx_hbm.shape[0]
    pw = nb // NW
    nch = pw // K
    base = wid * pw

    pltpu.sync_copy(idx_hbm.at[pl.ds(base, pw)], idx_full)

    def fire_gathers(g, b):
        for k in range(K):
            pltpu.async_copy(table_hbm.at[idx_full.at[g * K + k]],
                             rows_v.at[b, k], gsem[b])

    def wait_gathers(b):
        for k in range(K):
            pltpu.make_async_copy(table_hbm.at[idx_full.at[0]],
                                  rows_v.at[b, k], gsem[b]).wait()

    def fire_write(g, b):
        pltpu.async_copy(rows_v.at[b], out_hbm.at[pl.ds(base + g * K, K)],
                         wsem[b])

    def wait_write(b):
        pltpu.make_async_copy(rows_v.at[b], out_hbm.at[pl.ds(base, K)],
                              wsem[b]).wait()

    fire_gathers(0, 0)
    for r in range(NB - 1):
        fire_gathers(r + 1, (r + 1) % NB)
        wait_gathers(r % NB)
        fire_write(r, r % NB)

    def main(go, carry):
        for bb in range(NB):
            g = (NB - 1) + go * NB + bb
            b = (bb + NB) % NB
            wait_write(b)
            fire_gathers(g + 1, b)
            wait_gathers((bb + NB - 1) % NB)
            fire_write(g, (bb + NB - 1) % NB)
        return carry

    n_rounds = (nch - NB) // NB
    lax.fori_loop(0, n_rounds, main, 0, unroll=False)

    for g in range((NB - 1) + n_rounds * NB, nch - 1):
        b = (g + 1) % NB
        wait_write(b)
        fire_gathers(g + 1, b)
        wait_gathers(g % NB)
        fire_write(g, g % NB)

    wait_gathers((nch - 1) % NB)
    fire_write(nch - 1, (nch - 1) % NB)
    for b in range(NB):
        wait_write((nch - NB + b) % NB)


def kernel(embed, indices):
    nb, s = indices.shape
    d = embed.shape[1]
    idx = indices.astype(jnp.int32)
    pw = nb // NW
    mesh = plsc.VectorSubcoreMesh(
        core_axis_name="c", subcore_axis_name="s",
        num_cores=NC, num_subcores=NS)
    return pl.kernel(
        _gather_body,
        out_type=jax.ShapeDtypeStruct((nb, s, d), jnp.float32),
        mesh=mesh,
        scratch_types=(
            [pltpu.VMEM((pw, s), jnp.int32),
             pltpu.VMEM((NB, K, s, d), jnp.float32)]
            + [pltpu.SemaphoreType.DMA] * (2 * NB)
        ),
        compiler_params=pltpu.CompilerParams(use_tc_tiling_on_sc=False),
    )(embed, idx)

# --- scband reference (transcript-rebuilt; emitter-appended) ---
"""Pipeline reference for scband-embedding-lookup-26268019982632 (READ-ONLY COPY).

The authoritative reference and input builder live on the scoring server;
editing this copy changes nothing except your own understanding.
"""

import jax, jax.numpy as jnp
import numpy as np


def setup_inputs(seed: int = 0) -> dict:
    key = jax.random.key(seed)
    k1, k2 = jax.random.split(key)
    embed = jax.random.normal(k1, (1000000, 32), dtype=jnp.float32)
    indices = jax.random.randint(k2, (16384, 100), 0, 1000000, dtype=jnp.int64)
    return {"embed": embed, "indices": indices}


def reference(embed, indices):
    # tf.cast(inputs, tf.int32) then tf.nn.embedding_lookup(embed, inputs)
    idx = indices.astype(jnp.int32)
    return jnp.take(embed, idx, axis=0)

if __name__ == "__main__":
    import jax
    _d = setup_inputs()
    print(jax.jit(kernel)(*tuple(_d.values())))

</pallas_src>

<mosaic_0001>
#map = affine_map<(d0, d1) -> (0, 0)>
#map1 = affine_map<(d0, d1) -> (0, 0, 0)>
module attributes {stable_mosaic.version = 14 : i64} {
  func.func @_gather_body(%arg0: i32, %arg1: i32, %arg2: memref<1000000x32xf32, #tpu.memory_space<hbm>>, %arg3: memref<16384x100xi32, #tpu.memory_space<hbm>>, %arg4: memref<16384x100x32xf32, #tpu.memory_space<hbm>>, %arg5: memref<512x100xi32, #tpu.memory_space<vmem>>, %arg6: memref<2x8x100x32xf32, #tpu.memory_space<vmem>>, %arg7: memref<!tpu.dma_semaphore, #tpu.memory_space<semaphore_mem>>, %arg8: memref<!tpu.dma_semaphore, #tpu.memory_space<semaphore_mem>>, %arg9: memref<!tpu.dma_semaphore, #tpu.memory_space<semaphore_mem>>, %arg10: memref<!tpu.dma_semaphore, #tpu.memory_space<semaphore_mem>>) attributes {dimension_semantics = [#tpu.dimension_semantics<core_parallel>, #tpu.dimension_semantics<subcore_parallel>], iteration_bounds = array<i64: 2, 16>, scalar_prefetch = 0 : i64, scratch_operands = 6 : i64, tpu.core_type = #tpu.core_type<sc_vector_subcore>, window_params = [{transform_indices = #map}, {transform_indices = #map}, {transform_indices = #map1}]} {
    %mul3A = arith.constant 2 : i32
    %mul3A_0 = arith.muli %arg1, %mul3A : i32
    %add3A = arith.addi %mul3A_0, %arg0 : i32
    %mul3A_1 = arith.constant 512 : i32
    %mul3A_2 = arith.muli %add3A, %mul3A_1 : i32
    "tpu.region"() ({
      %run_scoped3A = tpu.sem_alloc : memref<!tpu.dma_semaphore, #tpu.memory_space<semaphore_mem>>
      %dma_start3A_494 = arith.constant 0 : i32
      %dma_start3A_495 = tpu.memref_slice %arg3[%mul3A_2, %dma_start3A_494] : memref<16384x100xi32, #tpu.memory_space<hbm>> -> memref<512x100xi32, #tpu.memory_space<hbm>>
      %dma_start3A_496 = arith.constant 0 : i32
      %dma_start3A_497 = tpu.memref_slice %arg3[%mul3A_2, %dma_start3A_496] : memref<16384x100xi32, #tpu.memory_space<hbm>> -> memref<512x100xi32, #tpu.memory_space<hbm>>
      tpu.enqueue_dma source(%dma_start3A_497 : memref<512x100xi32, #tpu.memory_space<hbm>>) target(%arg5 : memref<512x100xi32, #tpu.memory_space<vmem>>) target_semaphore(%run_scoped3A : memref<!tpu.dma_semaphore, #tpu.memory_space<semaphore_mem>>)
      %dma_wait3A_498 = arith.constant 0 : i32
      %dma_wait3A_499 = tpu.memref_slice %arg3[%mul3A_2, %dma_wait3A_498] : memref<16384x100xi32, #tpu.memory_space<hbm>> -> memref<512x100xi32, #tpu.memory_space<hbm>>
      %dma_wait3A_500 = arith.constant 0 : i32
      %dma_wait3A_501 = tpu.memref_slice %arg3[%mul3A_2, %dma_wait3A_500] : memref<16384x100xi32, #tpu.memory_space<hbm>> -> memref<512x100xi32, #tpu.memory_space<hbm>>
      tpu.wait_dma2 semaphore(%run_scoped3A : memref<!tpu.dma_semaphore, #tpu.memory_space<semaphore_mem>>) src(%dma_wait3A_501 : memref<512x100xi32, #tpu.memory_space<hbm>>) dst(%arg5 : memref<512x100xi32, #tpu.memory_space<vmem>>)
      tpu.yield
    }) : () -> ()
    %dma_start3A = arith.constant 0 : i32
    %dma_start3A_3 = arith.constant 0 : i32
    %dma_start3A_4 = arith.constant 0 : i32
    %dma_start3A_5 = arith.constant 0 : i32
    %dma_start3A_6 = arith.constant 0 : i32
    %dma_start3A_7 = tpu.memref_slice %arg6[%dma_start3A_3, %dma_start3A_4, %dma_start3A_5, %dma_start3A_6] : memref<2x8x100x32xf32, #tpu.memory_space<vmem>> -> memref<1x1x100x32xf32, #tpu.memory_space<vmem>>
    %dma_start3A_8 = tpu.memref_squeeze %dma_start3A_7 : memref<1x1x100x32xf32, #tpu.memory_space<vmem>> -> memref<100x32xf32, #tpu.memory_space<vmem>>
    %dma_start3A_9 = arith.constant 0 : i32
    %dma_start3A_10 = tpu.memref_slice %arg5[%dma_start3A, %dma_start3A_9] : memref<512x100xi32, #tpu.memory_space<vmem>> -> memref<1x100xi32, #tpu.memory_space<vmem>>
    %dma_start3A_11 = tpu.memref_squeeze %dma_start3A_10 : memref<1x100xi32, #tpu.memory_space<vmem>> -> memref<100xi32, #tpu.memory_space<vmem>>
    %dma_start3A_12 = arith.constant 0 : i32
    %dma_start3A_13 = arith.constant 0 : i32
    %dma_start3A_14 = tpu.memref_slice %arg2[%dma_start3A_12, %dma_start3A_13] : memref<1000000x32xf32, #tpu.memory_space<hbm>> -> memref<1000000x32xf32, #tpu.memory_space<hbm>>
    tpu.enqueue_indirect_dma source(%dma_start3A_14 : memref<1000000x32xf32, #tpu.memory_space<hbm>>) target(%dma_start3A_8 : memref<100x32xf32, #tpu.memory_space<vmem>>) offsets(%dma_start3A_11 : memref<100xi32, #tpu.memory_space<vmem>>) semaphore(%arg7 : memref<!tpu.dma_semaphore, #tpu.memory_space<semaphore_mem>>)
    %dma_start3A_15 = arith.constant 1 : i32
    %dma_start3A_16 = arith.constant 0 : i32
    %dma_start3A_17 = arith.constant 1 : i32
    %dma_start3A_18 = arith.constant 0 : i32
    %dma_start3A_19 = arith.constant 0 : i32
    %dma_start3A_20 = tpu.memref_slice %arg6[%dma_start3A_16, %dma_start3A_17, %dma_start3A_18, %dma_start3A_19] : memref<2x8x100x32xf32, #tpu.memory_space<vmem>> -> memref<1x1x100x32xf32, #tpu.memory_space<vmem>>
    %dma_start3A_21 = tpu.memref_squeeze %dma_start3A_20 : memref<1x1x100x32xf32, #tpu.memory_space<vmem>> -> memref<100x32xf32, #tpu.memory_space<vmem>>
    %dma_start3A_22 = arith.constant 0 : i32
    %dma_start3A_23 = tpu.memref_slice %arg5[%dma_start3A_15, %dma_start3A_22] : memref<512x100xi32, #tpu.memory_space<vmem>> -> memref<1x100xi32, #tpu.memory_space<vmem>>
    %dma_start3A_24 = tpu.memref_squeeze %dma_start3A_23 : memref<1x100xi32, #tpu.memory_space<vmem>> -> memref<100xi32, #tpu.memory_space<vmem>>
    %dma_start3A_25 = arith.constant 0 : i32
    %dma_start3A_26 = arith.constant 0 : i32
    %dma_start3A_27 = tpu.memref_slice %arg2[%dma_start3A_25, %dma_start3A_26] : memref<1000000x32xf32, #tpu.memory_space<hbm>> -> memref<1000000x32xf32, #tpu.memory_space<hbm>>
    tpu.enqueue_indirect_dma source(%dma_start3A_27 : memref<1000000x32xf32, #tpu.memory_space<hbm>>) target(%dma_start3A_21 : memref<100x32xf32, #tpu.memory_space<vmem>>) offsets(%dma_start3A_24 : memref<100xi32, #tpu.memory_space<vmem>>) semaphore(%arg7 : memref<!tpu.dma_semaphore, #tpu.memory_space<semaphore_mem>>)
    %dma_start3A_28 = arith.constant 2 : i32
    %dma_start3A_29 = arith.constant 0 : i32
    %dma_start3A_30 = arith.constant 2 : i32
    %dma_start3A_31 = arith.constant 0 : i32
    %dma_start3A_32 = arith.constant 0 : i32
    %dma_start3A_33 = tpu.memref_slice %arg6[%dma_start3A_29, %dma_start3A_30, %dma_start3A_31, %dma_start3A_32] : memref<2x8x100x32xf32, #tpu.memory_space<vmem>> -> memref<1x1x100x32xf32, #tpu.memory_space<vmem>>
    %dma_start3A_34 = tpu.memref_squeeze %dma_start3A_33 : memref<1x1x100x32xf32, #tpu.memory_space<vmem>> -> memref<100x32xf32, #tpu.memory_space<vmem>>
    %dma_start3A_35 = arith.constant 0 : i32
    %dma_start3A_36 = tpu.memref_slice %arg5[%dma_start3A_28, %dma_start3A_35] : memref<512x100xi32, #tpu.memory_space<vmem>> -> memref<1x100xi32, #tpu.memory_space<vmem>>
    %dma_start3A_37 = tpu.memref_squeeze %dma_start3A_36 : memref<1x100xi32, #tpu.memory_space<vmem>> -> memref<100xi32, #tpu.memory_space<vmem>>
    %dma_start3A_38 = arith.constant 0 : i32
    %dma_start3A_39 = arith.constant 0 : i32
    %dma_start3A_40 = tpu.memref_slice %arg2[%dma_start3A_38, %dma_start3A_39] : memref<1000000x32xf32, #tpu.memory_space<hbm>> -> memref<1000000x32xf32, #tpu.memory_space<hbm>>
    tpu.enqueue_indirect_dma source(%dma_start3A_40 : memref<1000000x32xf32, #tpu.memory_space<hbm>>) target(%dma_start3A_34 : memref<100x32xf32, #tpu.memory_space<vmem>>) offsets(%dma_start3A_37 : memref<100xi32, #tpu.memory_space<vmem>>) semaphore(%arg7 : memref<!tpu.dma_semaphore, #tpu.memory_space<semaphore_mem>>)
    %dma_start3A_41 = arith.constant 3 : i32
    %dma_start3A_42 = arith.constant 0 : i32
    %dma_start3A_43 = arith.constant 3 : i32
    %dma_start3A_44 = arith.constant 0 : i32
    %dma_start3A_45 = arith.constant 0 : i32
    %dma_start3A_46 = tpu.memref_slice %arg6[%dma_start3A_42, %dma_start3A_43, %dma_start3A_44, %dma_start3A_45] : memref<2x8x100x32xf32, #tpu.memory_space<vmem>> -> memref<1x1x100x32xf32, #tpu.memory_space<vmem>>
    %dma_start3A_47 = tpu.memref_squeeze %dma_start3A_46 : memref<1x1x100x32xf32, #tpu.memory_space<vmem>> -> memref<100x32xf32, #tpu.memory_space<vmem>>
    %dma_start3A_48 = arith.constant 0 : i32
    %dma_start3A_49 = tpu.memref_slice %arg5[%dma_start3A_41, %dma_start3A_48] : memref<512x100xi32, #tpu.memory_space<vmem>> -> memref<1x100xi32, #tpu.memory_space<vmem>>
    %dma_start3A_50 = tpu.memref_squeeze %dma_start3A_49 : memref<1x100xi32, #tpu.memory_space<vmem>> -> memref<100xi32, #tpu.memory_space<vmem>>
    %dma_start3A_51 = arith.constant 0 : i32
    %dma_start3A_52 = arith.constant 0 : i32
    %dma_start3A_53 = tpu.memref_slice %arg2[%dma_start3A_51, %dma_start3A_52] : memref<1000000x32xf32, #tpu.memory_space<hbm>> -> memref<1000000x32xf32, #tpu.memory_space<hbm>>
    tpu.enqueue_indirect_dma source(%dma_start3A_53 : memref<1000000x32xf32, #tpu.memory_space<hbm>>) target(%dma_start3A_47 : memref<100x32xf32, #tpu.memory_space<vmem>>) offsets(%dma_start3A_50 : memref<100xi32, #tpu.memory_space<vmem>>) semaphore(%arg7 : memref<!tpu.dma_semaphore, #tpu.memory_space<semaphore_mem>>)
    %dma_start3A_54 = arith.constant 4 : i32
    %dma_start3A_55 = arith.constant 0 : i32
    %dma_start3A_56 = arith.constant 4 : i32
    %dma_start3A_57 = arith.constant 0 : i32
    %dma_start3A_58 = arith.constant 0 : i32
    %dma_start3A_59 = tpu.memref_slice %arg6[%dma_start3A_55, %dma_start3A_56, %dma_start3A_57, %dma_start3A_58] : memref<2x8x100x32xf32, #tpu.memory_space<vmem>> -> memref<1x1x100x32xf32, #tpu.memory_space<vmem>>
    %dma_start3A_60 = tpu.memref_squeeze %dma_start3A_59 : memref<1x1x100x32xf32, #tpu.memory_space<vmem>> -> memref<100x32xf32, #tpu.memory_space<vmem>>
    %dma_start3A_61 = arith.constant 0 : i32
    %dma_start3A_62 = tpu.memref_slice %arg5[%dma_start3A_54, %dma_start3A_61] : memref<512x100xi32, #tpu.memory_space<vmem>> -> memref<1x100xi32, #tpu.memory_space<vmem>>
    %dma_start3A_63 = tpu.memref_squeeze %dma_start3A_62 : memref<1x100xi32, #tpu.memory_space<vmem>> -> memref<100xi32, #tpu.memory_space<vmem>>
    %dma_start3A_64 = arith.constant 0 : i32
    %dma_start3A_65 = arith.constant 0 : i32
    %dma_start3A_66 = tpu.memref_slice %arg2[%dma_start3A_64, %dma_start3A_65] : memref<1000000x32xf32, #tpu.memory_space<hbm>> -> memref<1000000x32xf32, #tpu.memory_space<hbm>>
    tpu.enqueue_indirect_dma source(%dma_start3A_66 : memref<1000000x32xf32, #tpu.memory_space<hbm>>) target(%dma_start3A_60 : memref<100x32xf32, #tpu.memory_space<vmem>>) offsets(%dma_start3A_63 : memref<100xi32, #tpu.memory_space<vmem>>) semaphore(%arg7 : memref<!tpu.dma_semaphore, #tpu.memory_space<semaphore_mem>>)
    %dma_start3A_67 = arith.constant 5 : i32
    %dma_start3A_68 = arith.constant 0 : i32
    %dma_start3A_69 = arith.constant 5 : i32
    %dma_start3A_70 = arith.constant 0 : i32
    %dma_start3A_71 = arith.constant 0 : i32
    %dma_start3A_72 = tpu.memref_slice %arg6[%dma_start3A_68, %dma_start3A_69, %dma_start3A_70, %dma_start3A_71] : memref<2x8x100x32xf32, #tpu.memory_space<vmem>> -> memref<1x1x100x32xf32, #tpu.memory_space<vmem>>
    %dma_start3A_73 = tpu.memref_squeeze %dma_start3A_72 : memref<1x1x100x32xf32, #tpu.memory_space<vmem>> -> memref<100x32xf32, #tpu.memory_space<vmem>>
    %dma_start3A_74 = arith.constant 0 : i32
    %dma_start3A_75 = tpu.memref_slice %arg5[%dma_start3A_67, %dma_start3A_74] : memref<512x100xi32, #tpu.memory_space<vmem>> -> memref<1x100xi32, #tpu.memory_space<vmem>>
    %dma_start3A_76 = tpu.memref_squeeze %dma_start3A_75 : memref<1x100xi32, #tpu.memory_space<vmem>> -> memref<100xi32, #tpu.memory_space<vmem>>
    %dma_start3A_77 = arith.constant 0 : i32
    %dma_start3A_78 = arith.constant 0 : i32
    %dma_start3A_79 = tpu.memref_slice %arg2[%dma_start3A_77, %dma_start3A_78] : memref<1000000x32xf32, #tpu.memory_space<hbm>> -> memref<1000000x32xf32, #tpu.memory_space<hbm>>
    tpu.enqueue_indirect_dma source(%dma_start3A_79 : memref<1000000x32xf32, #tpu.memory_space<hbm>>) target(%dma_start3A_73 : memref<100x32xf32, #tpu.memory_space<vmem>>) offsets(%dma_start3A_76 : memref<100xi32, #tpu.memory_space<vmem>>) semaphore(%arg7 : memref<!tpu.dma_semaphore, #tpu.memory_space<semaphore_mem>>)
    %dma_start3A_80 = arith.constant 6 : i32
    %dma_start3A_81 = arith.constant 0 : i32
    %dma_start3A_82 = arith.constant 6 : i32
    %dma_start3A_83 = arith.constant 0 : i32
    %dma_start3A_84 = arith.constant 0 : i32
    %dma_start3A_85 = tpu.memref_slice %arg6[%dma_start3A_81, %dma_start3A_82, %dma_start3A_83, %dma_start3A_84] : memref<2x8x100x32xf32, #tpu.memory_space<vmem>> -> memref<1x1x100x32xf32, #tpu.memory_space<vmem>>
    %dma_start3A_86 = tpu.memref_squeeze %dma_start3A_85 : memref<1x1x100x32xf32, #tpu.memory_space<vmem>> -> memref<100x32xf32, #tpu.memory_space<vmem>>
    %dma_start3A_87 = arith.constant 0 : i32
    %dma_start3A_88 = tpu.memref_slice %arg5[%dma_start3A_80, %dma_start3A_87] : memref<512x100xi32, #tpu.memory_space<vmem>> -> memref<1x100xi32, #tpu.memory_space<vmem>>
    %dma_start3A_89 = tpu.memref_squeeze %dma_start3A_88 : memref<1x100xi32, #tpu.memory_space<vmem>> -> memref<100xi32, #tpu.memory_space<vmem>>
    %dma_start3A_90 = arith.constant 0 : i32
    %dma_start3A_91 = arith.constant 0 : i32
    %dma_start3A_92 = tpu.memref_slice %arg2[%dma_start3A_90, %dma_start3A_91] : memref<1000000x32xf32, #tpu.memory_space<hbm>> -> memref<1000000x32xf32, #tpu.memory_space<hbm>>
    tpu.enqueue_indirect_dma source(%dma_start3A_92 : memref<1000000x32xf32, #tpu.memory_space<hbm>>) target(%dma_start3A_86 : memref<100x32xf32, #tpu.memory_space<vmem>>) offsets(%dma_start3A_89 : memref<100xi32, #tpu.memory_space<vmem>>) semaphore(%arg7 : memref<!tpu.dma_semaphore, #tpu.memory_space<semaphore_mem>>)
    %dma_start3A_93 = arith.constant 7 : i32
    %dma_start3A_94 = arith.constant 0 : i32
    %dma_start3A_95 = arith.constant 7 : i32
    %dma_start3A_96 = arith.constant 0 : i32
    %dma_start3A_97 = arith.constant 0 : i32
    %dma_start3A_98 = tpu.memref_slice %arg6[%dma_start3A_94, %dma_start3A_95, %dma_start3A_96, %dma_start3A_97] : memref<2x8x100x32xf32, #tpu.memory_space<vmem>> -> memref<1x1x100x32xf32, #tpu.memory_space<vmem>>
    %dma_start3A_99 = tpu.memref_squeeze %dma_start3A_98 : memref<1x1x100x32xf32, #tpu.memory_space<vmem>> -> memref<100x32xf32, #tpu.memory_space<vmem>>
    %dma_start3A_100 = arith.constant 0 : i32
    %dma_start3A_101 = tpu.memref_slice %arg5[%dma_start3A_93, %dma_start3A_100] : memref<512x100xi32, #tpu.memory_space<vmem>> -> memref<1x100xi32, #tpu.memory_space<vmem>>
    %dma_start3A_102 = tpu.memref_squeeze %dma_start3A_101 : memref<1x100xi32, #tpu.memory_space<vmem>> -> memref<100xi32, #tpu.memory_space<vmem>>
    %dma_start3A_103 = arith.constant 0 : i32
    %dma_start3A_104 = arith.constant 0 : i32
    %dma_start3A_105 = tpu.memref_slice %arg2[%dma_start3A_103, %dma_start3A_104] : memref<1000000x32xf32, #tpu.memory_space<hbm>> -> memref<1000000x32xf32, #tpu.memory_space<hbm>>
    tpu.enqueue_indirect_dma source(%dma_start3A_105 : memref<1000000x32xf32, #tpu.memory_space<hbm>>) target(%dma_start3A_99 : memref<100x32xf32, #tpu.memory_space<vmem>>) offsets(%dma_start3A_102 : memref<100xi32, #tpu.memory_space<vmem>>) semaphore(%arg7 : memref<!tpu.dma_semaphore, #tpu.memory_space<semaphore_mem>>)
    %dma_start3A_106 = arith.constant 8 : i32
    %dma_start3A_107 = arith.constant 1 : i32
    %dma_start3A_108 = arith.constant 0 : i32
    %dma_start3A_109 = arith.constant 0 : i32
    %dma_start3A_110 = arith.constant 0 : i32
    %dma_start3A_111 = tpu.memref_slice %arg6[%dma_start3A_107, %dma_start3A_108, %dma_start3A_109, %dma_start3A_110] : memref<2x8x100x32xf32, #tpu.memory_space<vmem>> -> memref<1x1x100x32xf32, #tpu.memory_space<vmem>>
    %dma_start3A_112 = tpu.memref_squeeze %dma_start3A_111 : memref<1x1x100x32xf32, #tpu.memory_space<vmem>> -> memref<100x32xf32, #tpu.memory_space<vmem>>
    %dma_start3A_113 = arith.constant 0 : i32
    %dma_start3A_114 = tpu.memref_slice %arg5[%dma_start3A_106, %dma_start3A_113] : memref<512x100xi32, #tpu.memory_space<vmem>> -> memref<1x100xi32, #tpu.memory_space<vmem>>
    %dma_start3A_115 = tpu.memref_squeeze %dma_start3A_114 : memref<1x100xi32, #tpu.memory_space<vmem>> -> memref<100xi32, #tpu.memory_space<vmem>>
    %dma_start3A_116 = arith.constant 0 : i32
    %dma_start3A_117 = arith.constant 0 : i32
    %dma_start3A_118 = tpu.memref_slice %arg2[%dma_start3A_116, %dma_start3A_117] : memref<1000000x32xf32, #tpu.memory_space<hbm>> -> memref<1000000x32xf32, #tpu.memory_space<hbm>>
    tpu.enqueue_indirect_dma source(%dma_start3A_118 : memref<1000000x32xf32, #tpu.memory_space<hbm>>) target(%dma_start3A_112 : memref<100x32xf32, #tpu.memory_space<vmem>>) offsets(%dma_start3A_115 : memref<100xi32, #tpu.memory_space<vmem>>) semaphore(%arg8 : memref<!tpu.dma_semaphore, #tpu.memory_space<semaphore_mem>>)
    %dma_start3A_119 = arith.constant 9 : i32
    %dma_start3A_120 = arith.constant 1 : i32
    %dma_start3A_121 = arith.constant 1 : i32
    %dma_start3A_122 = arith.constant 0 : i32
    %dma_start3A_123 = arith.constant 0 : i32
    %dma_start3A_124 = tpu.memref_slice %arg6[%dma_start3A_120, %dma_start3A_121, %dma_start3A_122, %dma_start3A_123] : memref<2x8x100x32xf32, #tpu.memory_space<vmem>> -> memref<1x1x100x32xf32, #tpu.memory_space<vmem>>
    %dma_start3A_125 = tpu.memref_squeeze %dma_start3A_124 : memref<1x1x100x32xf32, #tpu.memory_space<vmem>> -> memref<100x32xf32, #tpu.memory_space<vmem>>
    %dma_start3A_126 = arith.constant 0 : i32
    %dma_start3A_127 = tpu.memref_slice %arg5[%dma_start3A_119, %dma_start3A_126] : memref<512x100xi32, #tpu.memory_space<vmem>> -> memref<1x100xi32, #tpu.memory_space<vmem>>
    %dma_start3A_128 = tpu.memref_squeeze %dma_start3A_127 : memref<1x100xi32, #tpu.memory_space<vmem>> -> memref<100xi32, #tpu.memory_space<vmem>>
    %dma_start3A_129 = arith.constant 0 : i32
    %dma_start3A_130 = arith.constant 0 : i32
    %dma_start3A_131 = tpu.memref_slice %arg2[%dma_start3A_129, %dma_start3A_130] : memref<1000000x32xf32, #tpu.memory_space<hbm>> -> memref<1000000x32xf32, #tpu.memory_space<hbm>>
    tpu.enqueue_indirect_dma source(%dma_start3A_131 : memref<1000000x32xf32, #tpu.memory_space<hbm>>) target(%dma_start3A_125 : memref<100x32xf32, #tpu.memory_space<vmem>>) offsets(%dma_start3A_128 : memref<100xi32, #tpu.memory_space<vmem>>) semaphore(%arg8 : memref<!tpu.dma_semaphore, #tpu.memory_space<semaphore_mem>>)
    %dma_start3A_132 = arith.constant 10 : i32
    %dma_start3A_133 = arith.constant 1 : i32
    %dma_start3A_134 = arith.constant 2 : i32
    %dma_start3A_135 = arith.constant 0 : i32
    %dma_start3A_136 = arith.constant 0 : i32
    %dma_start3A_137 = tpu.memref_slice %arg6[%dma_start3A_133, %dma_start3A_134, %dma_start3A_135, %dma_start3A_136] : memref<2x8x100x32xf32, #tpu.memory_space<vmem>> -> memref<1x1x100x32xf32, #tpu.memory_space<vmem>>
    %dma_start3A_138 = tpu.memref_squeeze %dma_start3A_137 : memref<1x1x100x32xf32, #tpu.memory_space<vmem>> -> memref<100x32xf32, #tpu.memory_space<vmem>>
    %dma_start3A_139 = arith.constant 0 : i32
    %dma_start3A_140 = tpu.memref_slice %arg5[%dma_start3A_132, %dma_start3A_139] : memref<512x100xi32, #tpu.memory_space<vmem>> -> memref<1x100xi32, #tpu.memory_space<vmem>>
    %dma_start3A_141 = tpu.memref_squeeze %dma_start3A_140 : memref<1x100xi32, #tpu.memory_space<vmem>> -> memref<100xi32, #tpu.memory_space<vmem>>
    %dma_start3A_142 = arith.constant 0 : i32
    %dma_start3A_143 = arith.constant 0 : i32
    %dma_start3A_144 = tpu.memref_slice %arg2[%dma_start3A_142, %dma_start3A_143] : memref<1000000x32xf32, #tpu.memory_space<hbm>> -> memref<1000000x32xf32, #tpu.memory_space<hbm>>
    tpu.enqueue_indirect_dma source(%dma_start3A_144 : memref<1000000x32xf32, #tpu.memory_space<hbm>>) target(%dma_start3A_138 : memref<100x32xf32, #tpu.memory_space<vmem>>) offsets(%dma_start3A_141 : memref<100xi32, #tpu.memory_space<vmem>>) semaphore(%arg8 : memref<!tpu.dma_semaphore, #tpu.memory_space<semaphore_mem>>)
    %dma_start3A_145 = arith.constant 11 : i32
    %dma_start3A_146 = arith.constant 1 : i32
    %dma_start3A_147 = arith.constant 3 : i32
    %dma_start3A_148 = arith.constant 0 : i32
    %dma_start3A_149 = arith.constant 0 : i32
    %dma_start3A_150 = tpu.memref_slice %arg6[%dma_start3A_146, %dma_start3A_147, %dma_start3A_148, %dma_start3A_149] : memref<2x8x100x32xf32, #tpu.memory_space<vmem>> -> memref<1x1x100x32xf32, #tpu.memory_space<vmem>>
    %dma_start3A_151 = tpu.memref_squeeze %dma_start3A_150 : memref<1x1x100x32xf32, #tpu.memory_space<vmem>> -> memref<100x32xf32, #tpu.memory_space<vmem>>
    %dma_start3A_152 = arith.constant 0 : i32
    %dma_start3A_153 = tpu.memref_slice %arg5[%dma_start3A_145, %dma_start3A_152] : memref<512x100xi32, #tpu.memory_space<vmem>> -> memref<1x100xi32, #tpu.memory_space<vmem>>
    %dma_start3A_154 = tpu.memref_squeeze %dma_start3A_153 : memref<1x100xi32, #tpu.memory_space<vmem>> -> memref<100xi32, #tpu.memory_space<vmem>>
    %dma_start3A_155 = arith.constant 0 : i32
    %dma_start3A_156 = arith.constant 0 : i32
    %dma_start3A_157 = tpu.memref_slice %arg2[%dma_start3A_155, %dma_start3A_156] : memref<1000000x32xf32, #tpu.memory_space<hbm>> -> memref<1000000x32xf32, #tpu.memory_space<hbm>>
    tpu.enqueue_indirect_dma source(%dma_start3A_157 : memref<1000000x32xf32, #tpu.memory_space<hbm>>) target(%dma_start3A_151 : memref<100x32xf32, #tpu.memory_space<vmem>>) offsets(%dma_start3A_154 : memref<100xi32, #tpu.memory_space<vmem>>) semaphore(%arg8 : memref<!tpu.dma_semaphore, #tpu.memory_space<semaphore_mem>>)
    %dma_start3A_158 = arith.constant 12 : i32
    %dma_start3A_159 = arith.constant 1 : i32
    %dma_start3A_160 = arith.constant 4 : i32
    %dma_start3A_161 = arith.constant 0 : i32
    %dma_start3A_162 = arith.constant 0 : i32
    %dma_start3A_163 = tpu.memref_slice %arg6[%dma_start3A_159, %dma_start3A_160, %dma_start3A_161, %dma_start3A_162] : memref<2x8x100x32xf32, #tpu.memory_space<vmem>> -> memref<1x1x100x32xf32, #tpu.memory_space<vmem>>
    %dma_start3A_164 = tpu.memref_squeeze %dma_start3A_163 : memref<1x1x100x32xf32, #tpu.memory_space<vmem>> -> memref<100x32xf32, #tpu.memory_space<vmem>>
    %dma_start3A_165 = arith.constant 0 : i32
    %dma_start3A_166 = tpu.memref_slice %arg5[%dma_start3A_158, %dma_start3A_165] : memref<512x100xi32, #tpu.memory_space<vmem>> -> memref<1x100xi32, #tpu.memory_space<vmem>>
    %dma_start3A_167 = tpu.memref_squeeze %dma_start3A_166 : memref<1x100xi32, #tpu.memory_space<vmem>> -> memref<100xi32, #tpu.memory_space<vmem>>
    %dma_start3A_168 = arith.constant 0 : i32
    %dma_start3A_169 = arith.constant 0 : i32
    %dma_start3A_170 = tpu.memref_slice %arg2[%dma_start3A_168, %dma_start3A_169] : memref<1000000x32xf32, #tpu.memory_space<hbm>> -> memref<1000000x32xf32, #tpu.memory_space<hbm>>
    tpu.enqueue_indirect_dma source(%dma_start3A_170 : memref<1000000x32xf32, #tpu.memory_space<hbm>>) target(%dma_start3A_164 : memref<100x32xf32, #tpu.memory_space<vmem>>) offsets(%dma_start3A_167 : memref<100xi32, #tpu.memory_space<vmem>>) semaphore(%arg8 : memref<!tpu.dma_semaphore, #tpu.memory_space<semaphore_mem>>)
    %dma_start3A_171 = arith.constant 13 : i32
    %dma_start3A_172 = arith.constant 1 : i32
    %dma_start3A_173 = arith.constant 5 : i32
    %dma_start3A_174 = arith.constant 0 : i32
    %dma_start3A_175 = arith.constant 0 : i32
    %dma_start3A_176 = tpu.memref_slice %arg6[%dma_start3A_172, %dma_start3A_173, %dma_start3A_174, %dma_start3A_175] : memref<2x8x100x32xf32, #tpu.memory_space<vmem>> -> memref<1x1x100x32xf32, #tpu.memory_space<vmem>>
    %dma_start3A_177 = tpu.memref_squeeze %dma_start3A_176 : memref<1x1x100x32xf32, #tpu.memory_space<vmem>> -> memref<100x32xf32, #tpu.memory_space<vmem>>
    %dma_start3A_178 = arith.constant 0 : i32
    %dma_start3A_179 = tpu.memref_slice %arg5[%dma_start3A_171, %dma_start3A_178] : memref<512x100xi32, #tpu.memory_space<vmem>> -> memref<1x100xi32, #tpu.memory_space<vmem>>
    %dma_start3A_180 = tpu.memref_squeeze %dma_start3A_179 : memref<1x100xi32, #tpu.memory_space<vmem>> -> memref<100xi32, #tpu.memory_space<vmem>>
    %dma_start3A_181 = arith.constant 0 : i32
    %dma_start3A_182 = arith.constant 0 : i32
    %dma_start3A_183 = tpu.memref_slice %arg2[%dma_start3A_181, %dma_start3A_182] : memref<1000000x32xf32, #tpu.memory_space<hbm>> -> memref<1000000x32xf32, #tpu.memory_space<hbm>>
    tpu.enqueue_indirect_dma source(%dma_start3A_183 : memref<1000000x32xf32, #tpu.memory_space<hbm>>) target(%dma_start3A_177 : memref<100x32xf32, #tpu.memory_space<vmem>>) offsets(%dma_start3A_180 : memref<100xi32, #tpu.memory_space<vmem>>) semaphore(%arg8 : memref<!tpu.dma_semaphore, #tpu.memory_space<semaphore_mem>>)
    %dma_start3A_184 = arith.constant 14 : i32
    %dma_start3A_185 = arith.constant 1 : i32
    %dma_start3A_186 = arith.constant 6 : i32
    %dma_start3A_187 = arith.constant 0 : i32
    %dma_start3A_188 = arith.constant 0 : i32
    %dma_start3A_189 = tpu.memref_slice %arg6[%dma_start3A_185, %dma_start3A_186, %dma_start3A_187, %dma_start3A_188] : memref<2x8x100x32xf32, #tpu.memory_space<vmem>> -> memref<1x1x100x32xf32, #tpu.memory_space<vmem>>
    %dma_start3A_190 = tpu.memref_squeeze %dma_start3A_189 : memref<1x1x100x32xf32, #tpu.memory_space<vmem>> -> memref<100x32xf32, #tpu.memory_space<vmem>>
    %dma_start3A_191 = arith.constant 0 : i32
    %dma_start3A_192 = tpu.memref_slice %arg5[%dma_start3A_184, %dma_start3A_191] : memref<512x100xi32, #tpu.memory_space<vmem>> -> memref<1x100xi32, #tpu.memory_space<vmem>>
    %dma_start3A_193 = tpu.memref_squeeze %dma_start3A_192 : memref<1x100xi32, #tpu.memory_space<vmem>> -> memref<100xi32, #tpu.memory_space<vmem>>
    %dma_start3A_194 = arith.constant 0 : i32
    %dma_start3A_195 = arith.constant 0 : i32
    %dma_start3A_196 = tpu.memref_slice %arg2[%dma_start3A_194, %dma_start3A_195] : memref<1000000x32xf32, #tpu.memory_space<hbm>> -> memref<1000000x32xf32, #tpu.memory_space<hbm>>
    tpu.enqueue_indirect_dma source(%dma_start3A_196 : memref<1000000x32xf32, #tpu.memory_space<hbm>>) target(%dma_start3A_190 : memref<100x32xf32, #tpu.memory_space<vmem>>) offsets(%dma_start3A_193 : memref<100xi32, #tpu.memory_space<vmem>>) semaphore(%arg8 : memref<!tpu.dma_semaphore, #tpu.memory_space<semaphore_mem>>)
    %dma_start3A_197 = arith.constant 15 : i32
    %dma_start3A_198 = arith.constant 1 : i32
    %dma_start3A_199 = arith.constant 7 : i32
    %dma_start3A_200 = arith.constant 0 : i32
    %dma_start3A_201 = arith.constant 0 : i32
    %dma_start3A_202 = tpu.memref_slice %arg6[%dma_start3A_198, %dma_start3A_199, %dma_start3A_200, %dma_start3A_201] : memref<2x8x100x32xf32, #tpu.memory_space<vmem>> -> memref<1x1x100x32xf32, #tpu.memory_space<vmem>>
    %dma_start3A_203 = tpu.memref_squeeze %dma_start3A_202 : memref<1x1x100x32xf32, #tpu.memory_space<vmem>> -> memref<100x32xf32, #tpu.memory_space<vmem>>
    %dma_start3A_204 = arith.constant 0 : i32
    %dma_start3A_205 = tpu.memref_slice %arg5[%dma_start3A_197, %dma_start3A_204] : memref<512x100xi32, #tpu.memory_space<vmem>> -> memref<1x100xi32, #tpu.memory_space<vmem>>
    %dma_start3A_206 = tpu.memref_squeeze %dma_start3A_205 : memref<1x100xi32, #tpu.memory_space<vmem>> -> memref<100xi32, #tpu.memory_space<vmem>>
    %dma_start3A_207 = arith.constant 0 : i32
    %dma_start3A_208 = arith.constant 0 : i32
    %dma_start3A_209 = tpu.memref_slice %arg2[%dma_start3A_207, %dma_start3A_208] : memref<1000000x32xf32, #tpu.memory_space<hbm>> -> memref<1000000x32xf32, #tpu.memory_space<hbm>>
    tpu.enqueue_indirect_dma source(%dma_start3A_209 : memref<1000000x32xf32, #tpu.memory_space<hbm>>) target(%dma_start3A_203 : memref<100x32xf32, #tpu.memory_space<vmem>>) offsets(%dma_start3A_206 : memref<100xi32, #tpu.memory_space<vmem>>) semaphore(%arg8 : memref<!tpu.dma_semaphore, #tpu.memory_space<semaphore_mem>>)
    %dma_wait3A = arith.constant 0 : i32
    %dma_wait3A_210 = arith.constant 0 : i32
    %dma_wait3A_211 = arith.constant 0 : i32
    %dma_wait3A_212 = arith.constant 0 : i32
    %dma_wait3A_213 = arith.constant 0 : i32
    %dma_wait3A_214 = tpu.memref_slice %arg6[%dma_wait3A_210, %dma_wait3A_211, %dma_wait3A_212, %dma_wait3A_213] : memref<2x8x100x32xf32, #tpu.memory_space<vmem>> -> memref<1x1x100x32xf32, #tpu.memory_space<vmem>>
    %dma_wait3A_215 = tpu.memref_squeeze %dma_wait3A_214 : memref<1x1x100x32xf32, #tpu.memory_space<vmem>> -> memref<100x32xf32, #tpu.memory_space<vmem>>
    %dma_wait3A_216 = arith.constant 0 : i32
    %dma_wait3A_217 = tpu.memref_slice %arg5[%dma_wait3A, %dma_wait3A_216] : memref<512x100xi32, #tpu.memory_space<vmem>> -> memref<1x100xi32, #tpu.memory_space<vmem>>
    %dma_wait3A_218 = tpu.memref_squeeze %dma_wait3A_217 : memref<1x100xi32, #tpu.memory_space<vmem>> -> memref<100xi32, #tpu.memory_space<vmem>>
    %dma_wait3A_219 = arith.constant 0 : i32
    %dma_wait3A_220 = arith.constant 0 : i32
    %dma_wait3A_221 = tpu.memref_slice %arg2[%dma_wait3A_219, %dma_wait3A_220] : memref<1000000x32xf32, #tpu.memory_space<hbm>> -> memref<1000000x32xf32, #tpu.memory_space<hbm>>
    tpu.wait_indirect_dma semaphore(%arg7 : memref<!tpu.dma_semaphore, #tpu.memory_space<semaphore_mem>>) src(%dma_wait3A_221 : memref<1000000x32xf32, #tpu.memory_space<hbm>>) dst(%dma_wait3A_215 : memref<100x32xf32, #tpu.memory_space<vmem>>)
    %dma_wait3A_222 = arith.constant 0 : i32
    %dma_wait3A_223 = arith.constant 0 : i32
    %dma_wait3A_224 = arith.constant 1 : i32
    %dma_wait3A_225 = arith.constant 0 : i32
    %dma_wait3A_226 = arith.constant 0 : i32
    %dma_wait3A_227 = tpu.memref_slice %arg6[%dma_wait3A_223, %dma_wait3A_224, %dma_wait3A_225, %dma_wait3A_226] : memref<2x8x100x32xf32, #tpu.memory_space<vmem>> -> memref<1x1x100x32xf32, #tpu.memory_space<vmem>>
    %dma_wait3A_228 = tpu.memref_squeeze %dma_wait3A_227 : memref<1x1x100x32xf32, #tpu.memory_space<vmem>> -> memref<100x32xf32, #tpu.memory_space<vmem>>
    %dma_wait3A_229 = arith.constant 0 : i32
    %dma_wait3A_230 = tpu.memref_slice %arg5[%dma_wait3A_222, %dma_wait3A_229] : memref<512x100xi32, #tpu.memory_space<vmem>> -> memref<1x100xi32, #tpu.memory_space<vmem>>
    %dma_wait3A_231 = tpu.memref_squeeze %dma_wait3A_230 : memref<1x100xi32, #tpu.memory_space<vmem>> -> memref<100xi32, #tpu.memory_space<vmem>>
    %dma_wait3A_232 = arith.constant 0 : i32
    %dma_wait3A_233 = arith.constant 0 : i32
    %dma_wait3A_234 = tpu.memref_slice %arg2[%dma_wait3A_232, %dma_wait3A_233] : memref<1000000x32xf32, #tpu.memory_space<hbm>> -> memref<1000000x32xf32, #tpu.memory_space<hbm>>
    tpu.wait_indirect_dma semaphore(%arg7 : memref<!tpu.dma_semaphore, #tpu.memory_space<semaphore_mem>>) src(%dma_wait3A_234 : memref<1000000x32xf32, #tpu.memory_space<hbm>>) dst(%dma_wait3A_228 : memref<100x32xf32, #tpu.memory_space<vmem>>)
    %dma_wait3A_235 = arith.constant 0 : i32
    %dma_wait3A_236 = arith.constant 0 : i32
    %dma_wait3A_237 = arith.constant 2 : i32
    %dma_wait3A_238 = arith.constant 0 : i32
    %dma_wait3A_239 = arith.constant 0 : i32
    %dma_wait3A_240 = tpu.memref_slice %arg6[%dma_wait3A_236, %dma_wait3A_237, %dma_wait3A_238, %dma_wait3A_239] : memref<2x8x100x32xf32, #tpu.memory_space<vmem>> -> memref<1x1x100x32xf32, #tpu.memory_space<vmem>>
    %dma_wait3A_241 = tpu.memref_squeeze %dma_wait3A_240 : memref<1x1x100x32xf32, #tpu.memory_space<vmem>> -> memref<100x32xf32, #tpu.memory_space<vmem>>
    %dma_wait3A_242 = arith.constant 0 : i32
    %dma_wait3A_243 = tpu.memref_slice %arg5[%dma_wait3A_235, %dma_wait3A_242] : memref<512x100xi32, #tpu.memory_space<vmem>> -> memref<1x100xi32, #tpu.memory_space<vmem>>
    %dma_wait3A_244 = tpu.memref_squeeze %dma_wait3A_243 : memref<1x100xi32, #tpu.memory_space<vmem>> -> memref<100xi32, #tpu.memory_space<vmem>>
    %dma_wait3A_245 = arith.constant 0 : i32
    %dma_wait3A_246 = arith.constant 0 : i32
    %dma_wait3A_247 = tpu.memref_slice %arg2[%dma_wait3A_245, %dma_wait3A_246] : memref<1000000x32xf32, #tpu.memory_space<hbm>> -> memref<1000000x32xf32, #tpu.memory_space<hbm>>
    tpu.wait_indirect_dma semaphore(%arg7 : memref<!tpu.dma_semaphore, #tpu.memory_space<semaphore_mem>>) src(%dma_wait3A_247 : memref<1000000x32xf32, #tpu.memory_space<hbm>>) dst(%dma_wait3A_241 : memref<100x32xf32, #tpu.memory_space<vmem>>)
    %dma_wait3A_248 = arith.constant 0 : i32
    %dma_wait3A_249 = arith.constant 0 : i32
    %dma_wait3A_250 = arith.constant 3 : i32
    %dma_wait3A_251 = arith.constant 0 : i32
    %dma_wait3A_252 = arith.constant 0 : i32
    %dma_wait3A_253 = tpu.memref_slice %arg6[%dma_wait3A_249, %dma_wait3A_250, %dma_wait3A_251, %dma_wait3A_252] : memref<2x8x100x32xf32, #tpu.memory_space<vmem>> -> memref<1x1x100x32xf32, #tpu.memory_space<vmem>>
    %dma_wait3A_254 = tpu.memref_squeeze %dma_wait3A_253 : memref<1x1x100x32xf32, #tpu.memory_space<vmem>> -> memref<100x32xf32, #tpu.memory_space<vmem>>
    %dma_wait3A_255 = arith.constant 0 : i32
    %dma_wait3A_256 = tpu.memref_slice %arg5[%dma_wait3A_248, %dma_wait3A_255] : memref<512x100xi32, #tpu.memory_space<vmem>> -> memref<1x100xi32, #tpu.memory_space<vmem>>
    %dma_wait3A_257 = tpu.memref_squeeze %dma_wait3A_256 : memref<1x100xi32, #tpu.memory_space<vmem>> -> memref<100xi32, #tpu.memory_space<vmem>>
    %dma_wait3A_258 = arith.constant 0 : i32
    %dma_wait3A_259 = arith.constant 0 : i32
    %dma_wait3A_260 = tpu.memref_slice %arg2[%dma_wait3A_258, %dma_wait3A_259] : memref<1000000x32xf32, #tpu.memory_space<hbm>> -> memref<1000000x32xf32, #tpu.memory_space<hbm>>
    tpu.wait_indirect_dma semaphore(%arg7 : memref<!tpu.dma_semaphore, #tpu.memory_space<semaphore_mem>>) src(%dma_wait3A_260 : memref<1000000x32xf32, #tpu.memory_space<hbm>>) dst(%dma_wait3A_254 : memref<100x32xf32, #tpu.memory_space<vmem>>)
    %dma_wait3A_261 = arith.constant 0 : i32
    %dma_wait3A_262 = arith.constant 0 : i32
    %dma_wait3A_263 = arith.constant 4 : i32
    %dma_wait3A_264 = arith.constant 0 : i32
    %dma_wait3A_265 = arith.constant 0 : i32
    %dma_wait3A_266 = tpu.memref_slice %arg6[%dma_wait3A_262, %dma_wait3A_263, %dma_wait3A_264, %dma_wait3A_265] : memref<2x8x100x32xf32, #tpu.memory_space<vmem>> -> memref<1x1x100x32xf32, #tpu.memory_space<vmem>>
    %dma_wait3A_267 = tpu.memref_squeeze %dma_wait3A_266 : memref<1x1x100x32xf32, #tpu.memory_space<vmem>> -> memref<100x32xf32, #tpu.memory_space<vmem>>
    %dma_wait3A_268 = arith.constant 0 : i32
    %dma_wait3A_269 = tpu.memref_slice %arg5[%dma_wait3A_261, %dma_wait3A_268] : memref<512x100xi32, #tpu.memory_space<vmem>> -> memref<1x100xi32, #tpu.memory_space<vmem>>
    %dma_wait3A_270 = tpu.memref_squeeze %dma_wait3A_269 : memref<1x100xi32, #tpu.memory_space<vmem>> -> memref<100xi32, #tpu.memory_space<vmem>>
    %dma_wait3A_271 = arith.constant 0 : i32
    %dma_wait3A_272 = arith.constant 0 : i32
    %dma_wait3A_273 = tpu.memref_slice %arg2[%dma_wait3A_271, %dma_wait3A_272] : memref<1000000x32xf32, #tpu.memory_space<hbm>> -> memref<1000000x32xf32, #tpu.memory_space<hbm>>
    tpu.wait_indirect_dma semaphore(%arg7 : memref<!tpu.dma_semaphore, #tpu.memory_space<semaphore_mem>>) src(%dma_wait3A_273 : memref<1000000x32xf32, #tpu.memory_space<hbm>>) dst(%dma_wait3A_267 : memref<100x32xf32, #tpu.memory_space<vmem>>)
    %dma_wait3A_274 = arith.constant 0 : i32
    %dma_wait3A_275 = arith.constant 0 : i32
    %dma_wait3A_276 = arith.constant 5 : i32
    %dma_wait3A_277 = arith.constant 0 : i32
    %dma_wait3A_278 = arith.constant 0 : i32
    %dma_wait3A_279 = tpu.memref_slice %arg6[%dma_wait3A_275, %dma_wait3A_276, %dma_wait3A_277, %dma_wait3A_278] : memref<2x8x100x32xf32, #tpu.memory_space<vmem>> -> memref<1x1x100x32xf32, #tpu.memory_space<vmem>>
    %dma_wait3A_280 = tpu.memref_squeeze %dma_wait3A_279 : memref<1x1x100x32xf32, #tpu.memory_space<vmem>> -> memref<100x32xf32, #tpu.memory_space<vmem>>
    %dma_wait3A_281 = arith.constant 0 : i32
    %dma_wait3A_282 = tpu.memref_slice %arg5[%dma_wait3A_274, %dma_wait3A_281] : memref<512x100xi32, #tpu.memory_space<vmem>> -> memref<1x100xi32, #tpu.memory_space<vmem>>
    %dma_wait3A_283 = tpu.memref_squeeze %dma_wait3A_282 : memref<1x100xi32, #tpu.memory_space<vmem>> -> memref<100xi32, #tpu.memory_space<vmem>>
    %dma_wait3A_284 = arith.constant 0 : i32
    %dma_wait3A_285 = arith.constant 0 : i32
    %dma_wait3A_286 = tpu.memref_slice %arg2[%dma_wait3A_284, %dma_wait3A_285] : memref<1000000x32xf32, #tpu.memory_space<hbm>> -> memref<1000000x32xf32, #tpu.memory_space<hbm>>
    tpu.wait_indirect_dma semaphore(%arg7 : memref<!tpu.dma_semaphore, #tpu.memory_space<semaphore_mem>>) src(%dma_wait3A_286 : memref<1000000x32xf32, #tpu.memory_space<hbm>>) dst(%dma_wait3A_280 : memref<100x32xf32, #tpu.memory_space<vmem>>)
    %dma_wait3A_287 = arith.constant 0 : i32
    %dma_wait3A_288 = arith.constant 0 : i32
    %dma_wait3A_289 = arith.constant 6 : i32
    %dma_wait3A_290 = arith.constant 0 : i32
    %dma_wait3A_291 = arith.constant 0 : i32
    %dma_wait3A_292 = tpu.memref_slice %arg6[%dma_wait3A_288, %dma_wait3A_289, %dma_wait3A_290, %dma_wait3A_291] : memref<2x8x100x32xf32, #tpu.memory_space<vmem>> -> memref<1x1x100x32xf32, #tpu.memory_space<vmem>>
    %dma_wait3A_293 = tpu.memref_squeeze %dma_wait3A_292 : memref<1x1x100x32xf32, #tpu.memory_space<vmem>> -> memref<100x32xf32, #tpu.memory_space<vmem>>
    %dma_wait3A_294 = arith.constant 0 : i32
    %dma_wait3A_295 = tpu.memref_slice %arg5[%dma_wait3A_287, %dma_wait3A_294] : memref<512x100xi32, #tpu.memory_space<vmem>> -> memref<1x100xi32, #tpu.memory_space<vmem>>
    %dma_wait3A_296 = tpu.memref_squeeze %dma_wait3A_295 : memref<1x100xi32, #tpu.memory_space<vmem>> -> memref<100xi32, #tpu.memory_space<vmem>>
    %dma_wait3A_297 = arith.constant 0 : i32
    %dma_wait3A_298 = arith.constant 0 : i32
    %dma_wait3A_299 = tpu.memref_slice %arg2[%dma_wait3A_297, %dma_wait3A_298] : memref<1000000x32xf32, #tpu.memory_space<hbm>> -> memref<1000000x32xf32, #tpu.memory_space<hbm>>
    tpu.wait_indirect_dma semaphore(%arg7 : memref<!tpu.dma_semaphore, #tpu.memory_space<semaphore_mem>>) src(%dma_wait3A_299 : memref<1000000x32xf32, #tpu.memory_space<hbm>>) dst(%dma_wait3A_293 : memref<100x32xf32, #tpu.memory_space<vmem>>)
    %dma_wait3A_300 = arith.constant 0 : i32
    %dma_wait3A_301 = arith.constant 0 : i32
    %dma_wait3A_302 = arith.constant 7 : i32
    %dma_wait3A_303 = arith.constant 0 : i32
    %dma_wait3A_304 = arith.constant 0 : i32
    %dma_wait3A_305 = tpu.memref_slice %arg6[%dma_wait3A_301, %dma_wait3A_302, %dma_wait3A_303, %dma_wait3A_304] : memref<2x8x100x32xf32, #tpu.memory_space<vmem>> -> memref<1x1x100x32xf32, #tpu.memory_space<vmem>>
    %dma_wait3A_306 = tpu.memref_squeeze %dma_wait3A_305 : memref<1x1x100x32xf32, #tpu.memory_space<vmem>> -> memref<100x32xf32, #tpu.memory_space<vmem>>
    %dma_wait3A_307 = arith.constant 0 : i32
    %dma_wait3A_308 = tpu.memref_slice %arg5[%dma_wait3A_300, %dma_wait3A_307] : memref<512x100xi32, #tpu.memory_space<vmem>> -> memref<1x100xi32, #tpu.memory_space<vmem>>
    %dma_wait3A_309 = tpu.memref_squeeze %dma_wait3A_308 : memref<1x100xi32, #tpu.memory_space<vmem>> -> memref<100xi32, #tpu.memory_space<vmem>>
    %dma_wait3A_310 = arith.constant 0 : i32
    %dma_wait3A_311 = arith.constant 0 : i32
    %dma_wait3A_312 = tpu.memref_slice %arg2[%dma_wait3A_310, %dma_wait3A_311] : memref<1000000x32xf32, #tpu.memory_space<hbm>> -> memref<1000000x32xf32, #tpu.memory_space<hbm>>
    tpu.wait_indirect_dma semaphore(%arg7 : memref<!tpu.dma_semaphore, #tpu.memory_space<semaphore_mem>>) src(%dma_wait3A_312 : memref<1000000x32xf32, #tpu.memory_space<hbm>>) dst(%dma_wait3A_306 : memref<100x32xf32, #tpu.memory_space<vmem>>)
    %add3A_313 = arith.constant 0 : i32
    %add3A_314 = arith.addi %mul3A_2, %add3A_313 : i32
    %dma_start3A_315 = arith.constant 0 : i32
    %dma_start3A_316 = arith.constant 0 : i32
    %dma_start3A_317 = arith.constant 0 : i32
    %dma_start3A_318 = arith.constant 0 : i32
    %dma_start3A_319 = tpu.memref_slice %arg6[%dma_start3A_315, %dma_start3A_316, %dma_start3A_317, %dma_start3A_318] : memref<2x8x100x32xf32, #tpu.memory_space<vmem>> -> memref<1x8x100x32xf32, #tpu.memory_space<vmem>>
    %dma_start3A_320 = tpu.memref_squeeze %dma_start3A_319 : memref<1x8x100x32xf32, #tpu.memory_space<vmem>> -> memref<8x100x32xf32, #tpu.memory_space<vmem>>
    %dma_start3A_321 = arith.constant 0 : i32
    %dma_start3A_322 = arith.constant 0 : i32
    %dma_start3A_323 = tpu.memref_slice %arg4[%add3A_314, %dma_start3A_321, %dma_start3A_322] : memref<16384x100x32xf32, #tpu.memory_space<hbm>> -> memref<8x100x32xf32, #tpu.memory_space<hbm>>
    %dma_start3A_324 = arith.constant 0 : i32
    %dma_start3A_325 = arith.constant 0 : i32
    %dma_start3A_326 = tpu.memref_slice %arg4[%add3A_314, %dma_start3A_324, %dma_start3A_325] : memref<16384x100x32xf32, #tpu.memory_space<hbm>> -> memref<8x100x32xf32, #tpu.memory_space<hbm>>
    %dma_start3A_327 = arith.constant 0 : i32
    %dma_start3A_328 = arith.constant 0 : i32
    %dma_start3A_329 = arith.constant 0 : i32
    %dma_start3A_330 = tpu.memref_slice %arg6[%dma_start3A_315, %dma_start3A_327, %dma_start3A_328, %dma_start3A_329] : memref<2x8x100x32xf32, #tpu.memory_space<vmem>> -> memref<1x8x100x32xf32, #tpu.memory_space<vmem>>
    %dma_start3A_331 = tpu.memref_squeeze %dma_start3A_330 : memref<1x8x100x32xf32, #tpu.memory_space<vmem>> -> memref<8x100x32xf32, #tpu.memory_space<vmem>>
    tpu.enqueue_dma source(%dma_start3A_331 : memref<8x100x32xf32, #tpu.memory_space<vmem>>) target(%dma_start3A_326 : memref<8x100x32xf32, #tpu.memory_space<hbm>>) target_semaphore(%arg9 : memref<!tpu.dma_semaphore, #tpu.memory_space<semaphore_mem>>)
    %scan3A = arith.constant 0 : i32
    %scan3A_332 = arith.constant 0 : i32
    %scan3A_333 = arith.constant 31 : i32
    %scan3A_334 = arith.addi %scan3A_332, %scan3A_333 : i32
    %scan3A_335 = arith.constant 1 : i32
    scf.for %scan3A_494 = %scan3A_332 to %scan3A_334 step %scan3A_335  : i32 {
      %mul3A_495 = arith.constant 2 : i32
      %mul3A_496 = arith.muli %scan3A_494, %mul3A_495 : i32
      %add3A_497 = arith.constant 1 : i32
      %add3A_498 = arith.addi %add3A_497, %mul3A_496 : i32
      %add3A_499 = arith.constant 0 : i32
      %add3A_500 = arith.addi %add3A_498, %add3A_499 : i32
      %dma_wait3A_501 = arith.constant 0 : i32
      %dma_wait3A_502 = arith.constant 0 : i32
      %dma_wait3A_503 = arith.constant 0 : i32
      %dma_wait3A_504 = arith.constant 0 : i32
      %dma_wait3A_505 = tpu.memref_slice %arg6[%dma_wait3A_501, %dma_wait3A_502, %dma_wait3A_503, %dma_wait3A_504] : memref<2x8x100x32xf32, #tpu.memory_space<vmem>> -> memref<1x8x100x32xf32, #tpu.memory_space<vmem>>
      %dma_wait3A_506 = tpu.memref_squeeze %dma_wait3A_505 : memref<1x8x100x32xf32, #tpu.memory_space<vmem>> -> memref<8x100x32xf32, #tpu.memory_space<vmem>>
      %dma_wait3A_507 = arith.constant 0 : i32
      %dma_wait3A_508 = arith.constant 0 : i32
      %dma_wait3A_509 = tpu.memref_slice %arg4[%mul3A_2, %dma_wait3A_507, %dma_wait3A_508] : memref<16384x100x32xf32, #tpu.memory_space<hbm>> -> memref<8x100x32xf32, #tpu.memory_space<hbm>>
      %dma_wait3A_510 = arith.constant 0 : i32
      %dma_wait3A_511 = arith.constant 0 : i32
      %dma_wait3A_512 = tpu.memref_slice %arg4[%mul3A_2, %dma_wait3A_510, %dma_wait3A_511] : memref<16384x100x32xf32, #tpu.memory_space<hbm>> -> memref<8x100x32xf32, #tpu.memory_space<hbm>>
      %dma_wait3A_513 = arith.constant 0 : i32
      %dma_wait3A_514 = arith.constant 0 : i32
      %dma_wait3A_515 = arith.constant 0 : i32
      %dma_wait3A_516 = tpu.memref_slice %arg6[%dma_wait3A_501, %dma_wait3A_513, %dma_wait3A_514, %dma_wait3A_515] : memref<2x8x100x32xf32, #tpu.memory_space<vmem>> -> memref<1x8x100x32xf32, #tpu.memory_space<vmem>>
      %dma_wait3A_517 = tpu.memref_squeeze %dma_wait3A_516 : memref<1x8x100x32xf32, #tpu.memory_space<vmem>> -> memref<8x100x32xf32, #tpu.memory_space<vmem>>
      tpu.wait_dma2 semaphore(%arg9 : memref<!tpu.dma_semaphore, #tpu.memory_space<semaphore_mem>>) src(%dma_wait3A_517 : memref<8x100x32xf32, #tpu.memory_space<vmem>>) dst(%dma_wait3A_512 : memref<8x100x32xf32, #tpu.memory_space<hbm>>)
      %add3A_518 = arith.constant 1 : i32
      %add3A_519 = arith.addi %add3A_500, %add3A_518 : i32
      %mul3A_520 = arith.constant 8 : i32
      %mul3A_521 = arith.muli %add3A_519, %mul3A_520 : i32
      %add3A_522 = arith.constant 0 : i32
      %add3A_523 = arith.addi %mul3A_521, %add3A_522 : i32
      %dma_start3A_524 = arith.constant 0 : i32
      %dma_start3A_525 = arith.constant 0 : i32
      %dma_start3A_526 = arith.constant 0 : i32
      %dma_start3A_527 = arith.constant 0 : i32
      %dma_start3A_528 = tpu.memref_slice %arg6[%dma_start3A_524, %dma_start3A_525, %dma_start3A_526, %dma_start3A_527] : memref<2x8x100x32xf32, #tpu.memory_space<vmem>> -> memref<1x1x100x32xf32, #tpu.memory_space<vmem>>
      %dma_start3A_529 = tpu.memref_squeeze %dma_start3A_528 : memref<1x1x100x32xf32, #tpu.memory_space<vmem>> -> memref<100x32xf32, #tpu.memory_space<vmem>>
      %dma_start3A_530 = arith.constant 0 : i32
      %dma_start3A_531 = tpu.memref_slice %arg5[%add3A_523, %dma_start3A_530] : memref<512x100xi32, #tpu.memory_space<vmem>> -> memref<1x100xi32, #tpu.memory_space<vmem>>
      %dma_start3A_532 = tpu.memref_squeeze %dma_start3A_531 : memref<1x100xi32, #tpu.memory_space<vmem>> -> memref<100xi32, #tpu.memory_space<vmem>>
      %dma_start3A_533 = arith.constant 0 : i32
      %dma_start3A_534 = arith.constant 0 : i32
      %dma_start3A_535 = tpu.memref_slice %arg2[%dma_start3A_533, %dma_start3A_534] : memref<1000000x32xf32, #tpu.memory_space<hbm>> -> memref<1000000x32xf32, #tpu.memory_space<hbm>>
      tpu.enqueue_indirect_dma source(%dma_start3A_535 : memref<1000000x32xf32, #tpu.memory_space<hbm>>) target(%dma_start3A_529 : memref<100x32xf32, #tpu.memory_space<vmem>>) offsets(%dma_start3A_532 : memref<100xi32, #tpu.memory_space<vmem>>) semaphore(%arg7 : memref<!tpu.dma_semaphore, #tpu.memory_space<semaphore_mem>>)
      %mul3A_536 = arith.constant 8 : i32
      %mul3A_537 = arith.muli %add3A_519, %mul3A_536 : i32
      %add3A_538 = arith.constant 1 : i32
      %add3A_539 = arith.addi %mul3A_537, %add3A_538 : i32
      %dma_start3A_540 = arith.constant 0 : i32
      %dma_start3A_541 = arith.constant 1 : i32
      %dma_start3A_542 = arith.constant 0 : i32
      %dma_start3A_543 = arith.constant 0 : i32
      %dma_start3A_544 = tpu.memref_slice %arg6[%dma_start3A_540, %dma_start3A_541, %dma_start3A_542, %dma_start3A_543] : memref<2x8x100x32xf32, #tpu.memory_space<vmem>> -> memref<1x1x100x32xf32, #tpu.memory_space<vmem>>
      %dma_start3A_545 = tpu.memref_squeeze %dma_start3A_544 : memref<1x1x100x32xf32, #tpu.memory_space<vmem>> -> memref<100x32xf32, #tpu.memory_space<vmem>>
      %dma_start3A_546 = arith.constant 0 : i32
      %dma_start3A_547 = tpu.memref_slice %arg5[%add3A_539, %dma_start3A_546] : memref<512x100xi32, #tpu.memory_space<vmem>> -> memref<1x100xi32, #tpu.memory_space<vmem>>
      %dma_start3A_548 = tpu.memref_squeeze %dma_start3A_547 : memref<1x100xi32, #tpu.memory_space<vmem>> -> memref<100xi32, #tpu.memory_space<vmem>>
      %dma_start3A_549 = arith.constant 0 : i32
      %dma_start3A_550 = arith.constant 0 : i32
      %dma_start3A_551 = tpu.memref_slice %arg2[%dma_start3A_549, %dma_start3A_550] : memref<1000000x32xf32, #tpu.memory_space<hbm>> -> memref<1000000x32xf32, #tpu.memory_space<hbm>>
      tpu.enqueue_indirect_dma source(%dma_start3A_551 : memref<1000000x32xf32, #tpu.memory_space<hbm>>) target(%dma_start3A_545 : memref<100x32xf32, #tpu.memory_space<vmem>>) offsets(%dma_start3A_548 : memref<100xi32, #tpu.memory_space<vmem>>) semaphore(%arg7 : memref<!tpu.dma_semaphore, #tpu.memory_space<semaphore_mem>>)
      %mul3A_552 = arith.constant 8 : i32
      %mul3A_553 = arith.muli %add3A_519, %mul3A_552 : i32
      %add3A_554 = arith.constant 2 : i32
      %add3A_555 = arith.addi %mul3A_553, %add3A_554 : i32
      %dma_start3A_556 = arith.constant 0 : i32
      %dma_start3A_557 = arith.constant 2 : i32
      %dma_start3A_558 = arith.constant 0 : i32
      %dma_start3A_559 = arith.constant 0 : i32
      %dma_start3A_560 = tpu.memref_slice %arg6[%dma_start3A_556, %dma_start3A_557, %dma_start3A_558, %dma_start3A_559] : memref<2x8x100x32xf32, #tpu.memory_space<vmem>> -> memref<1x1x100x32xf32, #tpu.memory_space<vmem>>
      %dma_start3A_561 = tpu.memref_squeeze %dma_start3A_560 : memref<1x1x100x32xf32, #tpu.memory_space<vmem>> -> memref<100x32xf32, #tpu.memory_space<vmem>>
      %dma_start3A_562 = arith.constant 0 : i32
      %dma_start3A_563 = tpu.memref_slice %arg5[%add3A_555, %dma_start3A_562] : memref<512x100xi32, #tpu.memory_space<vmem>> -> memref<1x100xi32, #tpu.memory_space<vmem>>
      %dma_start3A_564 = tpu.memref_squeeze %dma_start3A_563 : memref<1x100xi32, #tpu.memory_space<vmem>> -> memref<100xi32, #tpu.memory_space<vmem>>
      %dma_start3A_565 = arith.constant 0 : i32
      %dma_start3A_566 = arith.constant 0 : i32
      %dma_start3A_567 = tpu.memref_slice %arg2[%dma_start3A_565, %dma_start3A_566] : memref<1000000x32xf32, #tpu.memory_space<hbm>> -> memref<1000000x32xf32, #tpu.memory_space<hbm>>
      tpu.enqueue_indirect_dma source(%dma_start3A_567 : memref<1000000x32xf32, #tpu.memory_space<hbm>>) target(%dma_start3A_561 : memref<100x32xf32, #tpu.memory_space<vmem>>) offsets(%dma_start3A_564 : memref<100xi32, #tpu.memory_space<vmem>>) semaphore(%arg7 : memref<!tpu.dma_semaphore, #tpu.memory_space<semaphore_mem>>)
      %mul3A_568 = arith.constant 8 : i32
      %mul3A_569 = arith.muli %add3A_519, %mul3A_568 : i32
      %add3A_570 = arith.constant 3 : i32
      %add3A_571 = arith.addi %mul3A_569, %add3A_570 : i32
      %dma_start3A_572 = arith.constant 0 : i32
      %dma_start3A_573 = arith.constant 3 : i32
      %dma_start3A_574 = arith.constant 0 : i32
      %dma_start3A_575 = arith.constant 0 : i32
      %dma_start3A_576 = tpu.memref_slice %arg6[%dma_start3A_572, %dma_start3A_573, %dma_start3A_574, %dma_start3A_575] : memref<2x8x100x32xf32, #tpu.memory_space<vmem>> -> memref<1x1x100x32xf32, #tpu.memory_space<vmem>>
      %dma_start3A_577 = tpu.memref_squeeze %dma_start3A_576 : memref<1x1x100x32xf32, #tpu.memory_space<vmem>> -> memref<100x32xf32, #tpu.memory_space<vmem>>
      %dma_start3A_578 = arith.constant 0 : i32
      %dma_start3A_579 = tpu.memref_slice %arg5[%add3A_571, %dma_start3A_578] : memref<512x100xi32, #tpu.memory_space<vmem>> -> memref<1x100xi32, #tpu.memory_space<vmem>>
      %dma_start3A_580 = tpu.memref_squeeze %dma_start3A_579 : memref<1x100xi32, #tpu.memory_space<vmem>> -> memref<100xi32, #tpu.memory_space<vmem>>
      %dma_start3A_581 = arith.constant 0 : i32
      %dma_start3A_582 = arith.constant 0 : i32
      %dma_start3A_583 = tpu.memref_slice %arg2[%dma_start3A_581, %dma_start3A_582] : memref<1000000x32xf32, #tpu.memory_space<hbm>> -> memref<1000000x32xf32, #tpu.memory_space<hbm>>
      tpu.enqueue_indirect_dma source(%dma_start3A_583 : memref<1000000x32xf32, #tpu.memory_space<hbm>>) target(%dma_start3A_577 : memref<100x32xf32, #tpu.memory_space<vmem>>) offsets(%dma_start3A_580 : memref<100xi32, #tpu.memory_space<vmem>>) semaphore(%arg7 : memref<!tpu.dma_semaphore, #tpu.memory_space<semaphore_mem>>)
      %mul3A_584 = arith.constant 8 : i32
      %mul3A_585 = arith.muli %add3A_519, %mul3A_584 : i32
      %add3A_586 = arith.constant 4 : i32
      %add3A_587 = arith.addi %mul3A_585, %add3A_586 : i32
      %dma_start3A_588 = arith.constant 0 : i32
      %dma_start3A_589 = arith.constant 4 : i32
      %dma_start3A_590 = arith.constant 0 : i32
      %dma_start3A_591 = arith.constant 0 : i32
      %dma_start3A_592 = tpu.memref_slice %arg6[%dma_start3A_588, %dma_start3A_589, %dma_start3A_590, %dma_start3A_591] : memref<2x8x100x32xf32, #tpu.memory_space<vmem>> -> memref<1x1x100x32xf32, #tpu.memory_space<vmem>>
      %dma_start3A_593 = tpu.memref_squeeze %dma_start3A_592 : memref<1x1x100x32xf32, #tpu.memory_space<vmem>> -> memref<100x32xf32, #tpu.memory_space<vmem>>
      %dma_start3A_594 = arith.constant 0 : i32
      %dma_start3A_595 = tpu.memref_slice %arg5[%add3A_587, %dma_start3A_594] : memref<512x100xi32, #tpu.memory_space<vmem>> -> memref<1x100xi32, #tpu.memory_space<vmem>>
      %dma_start3A_596 = tpu.memref_squeeze %dma_start3A_595 : memref<1x100xi32, #tpu.memory_space<vmem>> -> memref<100xi32, #tpu.memory_space<vmem>>
      %dma_start3A_597 = arith.constant 0 : i32
      %dma_start3A_598 = arith.constant 0 : i32
      %dma_start3A_599 = tpu.memref_slice %arg2[%dma_start3A_597, %dma_start3A_598] : memref<1000000x32xf32, #tpu.memory_space<hbm>> -> memref<1000000x32xf32, #tpu.memory_space<hbm>>
      tpu.enqueue_indirect_dma source(%dma_start3A_599 : memref<1000000x32xf32, #tpu.memory_space<hbm>>) target(%dma_start3A_593 : memref<100x32xf32, #tpu.memory_space<vmem>>) offsets(%dma_start3A_596 : memref<100xi32, #tpu.memory_space<vmem>>) semaphore(%arg7 : memref<!tpu.dma_semaphore, #tpu.memory_space<semaphore_mem>>)
      %mul3A_600 = arith.constant 8 : i32
      %mul3A_601 = arith.muli %add3A_519, %mul3A_600 : i32
      %add3A_602 = arith.constant 5 : i32
      %add3A_603 = arith.addi %mul3A_601, %add3A_602 : i32
      %dma_start3A_604 = arith.constant 0 : i32
      %dma_start3A_605 = arith.constant 5 : i32
      %dma_start3A_606 = arith.constant 0 : i32
      %dma_start3A_607 = arith.constant 0 : i32
      %dma_start3A_608 = tpu.memref_slice %arg6[%dma_start3A_604, %dma_start3A_605, %dma_start3A_606, %dma_start3A_607] : memref<2x8x100x32xf32, #tpu.memory_space<vmem>> -> memref<1x1x100x32xf32, #tpu.memory_space<vmem>>
      %dma_start3A_609 = tpu.memref_squeeze %dma_start3A_608 : memref<1x1x100x32xf32, #tpu.memory_space<vmem>> -> memref<100x32xf32, #tpu.memory_space<vmem>>
      %dma_start3A_610 = arith.constant 0 : i32
      %dma_start3A_611 = tpu.memref_slice %arg5[%add3A_603, %dma_start3A_610] : memref<512x100xi32, #tpu.memory_space<vmem>> -> memref<1x100xi32, #tpu.memory_space<vmem>>
      %dma_start3A_612 = tpu.memref_squeeze %dma_start3A_611 : memref<1x100xi32, #tpu.memory_space<vmem>> -> memref<100xi32, #tpu.memory_space<vmem>>
      %dma_start3A_613 = arith.constant 0 : i32
      %dma_start3A_614 = arith.constant 0 : i32
      %dma_start3A_615 = tpu.memref_slice %arg2[%dma_start3A_613, %dma_start3A_614] : memref<1000000x32xf32, #tpu.memory_space<hbm>> -> memref<1000000x32xf32, #tpu.memory_space<hbm>>
      tpu.enqueue_indirect_dma source(%dma_start3A_615 : memref<1000000x32xf32, #tpu.memory_space<hbm>>) target(%dma_start3A_609 : memref<100x32xf32, #tpu.memory_space<vmem>>) offsets(%dma_start3A_612 : memref<100xi32, #tpu.memory_space<vmem>>) semaphore(%arg7 : memref<!tpu.dma_semaphore, #tpu.memory_space<semaphore_mem>>)
      %mul3A_616 = arith.constant 8 : i32
      %mul3A_617 = arith.muli %add3A_519, %mul3A_616 : i32
      %add3A_618 = arith.constant 6 : i32
      %add3A_619 = arith.addi %mul3A_617, %add3A_618 : i32
      %dma_start3A_620 = arith.constant 0 : i32
      %dma_start3A_621 = arith.constant 6 : i32
      %dma_start3A_622 = arith.constant 0 : i32
      %dma_start3A_623 = arith.constant 0 : i32
      %dma_start3A_624 = tpu.memref_slice %arg6[%dma_start3A_620, %dma_start3A_621, %dma_start3A_622, %dma_start3A_623] : memref<2x8x100x32xf32, #tpu.memory_space<vmem>> -> memref<1x1x100x32xf32, #tpu.memory_space<vmem>>
      %dma_start3A_625 = tpu.memref_squeeze %dma_start3A_624 : memref<1x1x100x32xf32, #tpu.memory_space<vmem>> -> memref<100x32xf32, #tpu.memory_space<vmem>>
      %dma_start3A_626 = arith.constant 0 : i32
      %dma_start3A_627 = tpu.memref_slice %arg5[%add3A_619, %dma_start3A_626] : memref<512x100xi32, #tpu.memory_space<vmem>> -> memref<1x100xi32, #tpu.memory_space<vmem>>
      %dma_start3A_628 = tpu.memref_squeeze %dma_start3A_627 : memref<1x100xi32, #tpu.memory_space<vmem>> -> memref<100xi32, #tpu.memory_space<vmem>>
      %dma_start3A_629 = arith.constant 0 : i32
      %dma_start3A_630 = arith.constant 0 : i32
      %dma_start3A_631 = tpu.memref_slice %arg2[%dma_start3A_629, %dma_start3A_630] : memref<1000000x32xf32, #tpu.memory_space<hbm>> -> memref<1000000x32xf32, #tpu.memory_space<hbm>>
      tpu.enqueue_indirect_dma source(%dma_start3A_631 : memref<1000000x32xf32, #tpu.memory_space<hbm>>) target(%dma_start3A_625 : memref<100x32xf32, #tpu.memory_space<vmem>>) offsets(%dma_start3A_628 : memref<100xi32, #tpu.memory_space<vmem>>) semaphore(%arg7 : memref<!tpu.dma_semaphore, #tpu.memory_space<semaphore_mem>>)
      %mul3A_632 = arith.constant 8 : i32
      %mul3A_633 = arith.muli %add3A_519, %mul3A_632 : i32
      %add3A_634 = arith.constant 7 : i32
      %add3A_635 = arith.addi %mul3A_633, %add3A_634 : i32
      %dma_start3A_636 = arith.constant 0 : i32
      %dma_start3A_637 = arith.constant 7 : i32
      %dma_start3A_638 = arith.constant 0 : i32
      %dma_start3A_639 = arith.constant 0 : i32
      %dma_start3A_640 = tpu.memref_slice %arg6[%dma_start3A_636, %dma_start3A_637, %dma_start3A_638, %dma_start3A_639] : memref<2x8x100x32xf32, #tpu.memory_space<vmem>> -> memref<1x1x100x32xf32, #tpu.memory_space<vmem>>
      %dma_start3A_641 = tpu.memref_squeeze %dma_start3A_640 : memref<1x1x100x32xf32, #tpu.memory_space<vmem>> -> memref<100x32xf32, #tpu.memory_space<vmem>>
      %dma_start3A_642 = arith.constant 0 : i32
      %dma_start3A_643 = tpu.memref_slice %arg5[%add3A_635, %dma_start3A_642] : memref<512x100xi32, #tpu.memory_space<vmem>> -> memref<1x100xi32, #tpu.memory_space<vmem>>
      %dma_start3A_644 = tpu.memref_squeeze %dma_start3A_643 : memref<1x100xi32, #tpu.memory_space<vmem>> -> memref<100xi32, #tpu.memory_space<vmem>>
      %dma_start3A_645 = arith.constant 0 : i32
      %dma_start3A_646 = arith.constant 0 : i32
      %dma_start3A_647 = tpu.memref_slice %arg2[%dma_start3A_645, %dma_start3A_646] : memref<1000000x32xf32, #tpu.memory_space<hbm>> -> memref<1000000x32xf32, #tpu.memory_space<hbm>>
      tpu.enqueue_indirect_dma source(%dma_start3A_647 : memref<1000000x32xf32, #tpu.memory_space<hbm>>) target(%dma_start3A_641 : memref<100x32xf32, #tpu.memory_space<vmem>>) offsets(%dma_start3A_644 : memref<100xi32, #tpu.memory_space<vmem>>) semaphore(%arg7 : memref<!tpu.dma_semaphore, #tpu.memory_space<semaphore_mem>>)
      %dma_wait3A_648 = arith.constant 0 : i32
      %dma_wait3A_649 = arith.constant 1 : i32
      %dma_wait3A_650 = arith.constant 0 : i32
      %dma_wait3A_651 = arith.constant 0 : i32
      %dma_wait3A_652 = arith.constant 0 : i32
      %dma_wait3A_653 = tpu.memref_slice %arg6[%dma_wait3A_649, %dma_wait3A_650, %dma_wait3A_651, %dma_wait3A_652] : memref<2x8x100x32xf32, #tpu.memory_space<vmem>> -> memref<1x1x100x32xf32, #tpu.memory_space<vmem>>
      %dma_wait3A_654 = tpu.memref_squeeze %dma_wait3A_653 : memref<1x1x100x32xf32, #tpu.memory_space<vmem>> -> memref<100x32xf32, #tpu.memory_space<vmem>>
      %dma_wait3A_655 = arith.constant 0 : i32
      %dma_wait3A_656 = tpu.memref_slice %arg5[%dma_wait3A_648, %dma_wait3A_655] : memref<512x100xi32, #tpu.memory_space<vmem>> -> memref<1x100xi32, #tpu.memory_space<vmem>>
      %dma_wait3A_657 = tpu.memref_squeeze %dma_wait3A_656 : memref<1x100xi32, #tpu.memory_space<vmem>> -> memref<100xi32, #tpu.memory_space<vmem>>
      %dma_wait3A_658 = arith.constant 0 : i32
      %dma_wait3A_659 = arith.constant 0 : i32
      %dma_wait3A_660 = tpu.memref_slice %arg2[%dma_wait3A_658, %dma_wait3A_659] : memref<1000000x32xf32, #tpu.memory_space<hbm>> -> memref<1000000x32xf32, #tpu.memory_space<hbm>>
      tpu.wait_indirect_dma semaphore(%arg8 : memref<!tpu.dma_semaphore, #tpu.memory_space<semaphore_mem>>) src(%dma_wait3A_660 : memref<1000000x32xf32, #tpu.memory_space<hbm>>) dst(%dma_wait3A_654 : memref<100x32xf32, #tpu.memory_space<vmem>>)
      %dma_wait3A_661 = arith.constant 0 : i32
      %dma_wait3A_662 = arith.constant 1 : i32
      %dma_wait3A_663 = arith.constant 1 : i32
      %dma_wait3A_664 = arith.constant 0 : i32
      %dma_wait3A_665 = arith.constant 0 : i32
      %dma_wait3A_666 = tpu.memref_slice %arg6[%dma_wait3A_662, %dma_wait3A_663, %dma_wait3A_664, %dma_wait3A_665] : memref<2x8x100x32xf32, #tpu.memory_space<vmem>> -> memref<1x1x100x32xf32, #tpu.memory_space<vmem>>
      %dma_wait3A_667 = tpu.memref_squeeze %dma_wait3A_666 : memref<1x1x100x32xf32, #tpu.memory_space<vmem>> -> memref<100x32xf32, #tpu.memory_space<vmem>>
      %dma_wait3A_668 = arith.constant 0 : i32
      %dma_wait3A_669 = tpu.memref_slice %arg5[%dma_wait3A_661, %dma_wait3A_668] : memref<512x100xi32, #tpu.memory_space<vmem>> -> memref<1x100xi32, #tpu.memory_space<vmem>>
      %dma_wait3A_670 = tpu.memref_squeeze %dma_wait3A_669 : memref<1x100xi32, #tpu.memory_space<vmem>> -> memref<100xi32, #tpu.memory_space<vmem>>
      %dma_wait3A_671 = arith.constant 0 : i32
      %dma_wait3A_672 = arith.constant 0 : i32
      %dma_wait3A_673 = tpu.memref_slice %arg2[%dma_wait3A_671, %dma_wait3A_672] : memref<1000000x32xf32, #tpu.memory_space<hbm>> -> memref<1000000x32xf32, #tpu.memory_space<hbm>>
      tpu.wait_indirect_dma semaphore(%arg8 : memref<!tpu.dma_semaphore, #tpu.memory_space<semaphore_mem>>) src(%dma_wait3A_673 : memref<1000000x32xf32, #tpu.memory_space<hbm>>) dst(%dma_wait3A_667 : memref<100x32xf32, #tpu.memory_space<vmem>>)
      %dma_wait3A_674 = arith.constant 0 : i32
      %dma_wait3A_675 = arith.constant 1 : i32
      %dma_wait3A_676 = arith.constant 2 : i32
      %dma_wait3A_677 = arith.constant 0 : i32
      %dma_wait3A_678 = arith.constant 0 : i32
      %dma_wait3A_679 = tpu.memref_slice %arg6[%dma_wait3A_675, %dma_wait3A_676, %dma_wait3A_677, %dma_wait3A_678] : memref<2x8x100x32xf32, #tpu.memory_space<vmem>> -> memref<1x1x100x32xf32, #tpu.memory_space<vmem>>
      %dma_wait3A_680 = tpu.memref_squeeze %dma_wait3A_679 : memref<1x1x100x32xf32, #tpu.memory_space<vmem>> -> memref<100x32xf32, #tpu.memory_space<vmem>>
      %dma_wait3A_681 = arith.constant 0 : i32
      %dma_wait3A_682 = tpu.memref_slice %arg5[%dma_wait3A_674, %dma_wait3A_681] : memref<512x100xi32, #tpu.memory_space<vmem>> -> memref<1x100xi32, #tpu.memory_space<vmem>>
      %dma_wait3A_683 = tpu.memref_squeeze %dma_wait3A_682 : memref<1x100xi32, #tpu.memory_space<vmem>> -> memref<100xi32, #tpu.memory_space<vmem>>
      %dma_wait3A_684 = arith.constant 0 : i32
      %dma_wait3A_685 = arith.constant 0 : i32
      %dma_wait3A_686 = tpu.memref_slice %arg2[%dma_wait3A_684, %dma_wait3A_685] : memref<1000000x32xf32, #tpu.memory_space<hbm>> -> memref<1000000x32xf32, #tpu.memory_space<hbm>>
      tpu.wait_indirect_dma semaphore(%arg8 : memref<!tpu.dma_semaphore, #tpu.memory_space<semaphore_mem>>) src(%dma_wait3A_686 : memref<1000000x32xf32, #tpu.memory_space<hbm>>) dst(%dma_wait3A_680 : memref<100x32xf32, #tpu.memory_space<vmem>>)
      %dma_wait3A_687 = arith.constant 0 : i32
      %dma_wait3A_688 = arith.constant 1 : i32
      %dma_wait3A_689 = arith.constant 3 : i32
      %dma_wait3A_690 = arith.constant 0 : i32
      %dma_wait3A_691 = arith.constant 0 : i32
      %dma_wait3A_692 = tpu.memref_slice %arg6[%dma_wait3A_688, %dma_wait3A_689, %dma_wait3A_690, %dma_wait3A_691] : memref<2x8x100x32xf32, #tpu.memory_space<vmem>> -> memref<1x1x100x32xf32, #tpu.memory_space<vmem>>
      %dma_wait3A_693 = tpu.memref_squeeze %dma_wait3A_692 : memref<1x1x100x32xf32, #tpu.memory_space<vmem>> -> memref<100x32xf32, #tpu.memory_space<vmem>>
      %dma_wait3A_694 = arith.constant 0 : i32
      %dma_wait3A_695 = tpu.memref_slice %arg5[%dma_wait3A_687, %dma_wait3A_694] : memref<512x100xi32, #tpu.memory_space<vmem>> -> memref<1x100xi32, #tpu.memory_space<vmem>>
      %dma_wait3A_696 = tpu.memref_squeeze %dma_wait3A_695 : memref<1x100xi32, #tpu.memory_space<vmem>> -> memref<100xi32, #tpu.memory_space<vmem>>
      %dma_wait3A_697 = arith.constant 0 : i32
      %dma_wait3A_698 = arith.constant 0 : i32
      %dma_wait3A_699 = tpu.memref_slice %arg2[%dma_wait3A_697, %dma_wait3A_698] : memref<1000000x32xf32, #tpu.memory_space<hbm>> -> memref<1000000x32xf32, #tpu.memory_space<hbm>>
      tpu.wait_indirect_dma semaphore(%arg8 : memref<!tpu.dma_semaphore, #tpu.memory_space<semaphore_mem>>) src(%dma_wait3A_699 : memref<1000000x32xf32, #tpu.memory_space<hbm>>) dst(%dma_wait3A_693 : memref<100x32xf32, #tpu.memory_space<vmem>>)
      %dma_wait3A_700 = arith.constant 0 : i32
      %dma_wait3A_701 = arith.constant 1 : i32
      %dma_wait3A_702 = arith.constant 4 : i32
      %dma_wait3A_703 = arith.constant 0 : i32
      %dma_wait3A_704 = arith.constant 0 : i32
      %dma_wait3A_705 = tpu.memref_slice %arg6[%dma_wait3A_701, %dma_wait3A_702, %dma_wait3A_703, %dma_wait3A_704] : memref<2x8x100x32xf32, #tpu.memory_space<vmem>> -> memref<1x1x100x32xf32, #tpu.memory_space<vmem>>
      %dma_wait3A_706 = tpu.memref_squeeze %dma_wait3A_705 : memref<1x1x100x32xf32, #tpu.memory_space<vmem>> -> memref<100x32xf32, #tpu.memory_space<vmem>>
      %dma_wait3A_707 = arith.constant 0 : i32
      %dma_wait3A_708 = tpu.memref_slice %arg5[%dma_wait3A_700, %dma_wait3A_707] : memref<512x100xi32, #tpu.memory_space<vmem>> -> memref<1x100xi32, #tpu.memory_space<vmem>>
      %dma_wait3A_709 = tpu.memref_squeeze %dma_wait3A_708 : memref<1x100xi32, #tpu.memory_space<vmem>> -> memref<100xi32, #tpu.memory_space<vmem>>
      %dma_wait3A_710 = arith.constant 0 : i32
      %dma_wait3A_711 = arith.constant 0 : i32
      %dma_wait3A_712 = tpu.memref_slice %arg2[%dma_wait3A_710, %dma_wait3A_711] : memref<1000000x32xf32, #tpu.memory_space<hbm>> -> memref<1000000x32xf32, #tpu.memory_space<hbm>>
      tpu.wait_indirect_dma semaphore(%arg8 : memref<!tpu.dma_semaphore, #tpu.memory_space<semaphore_mem>>) src(%dma_wait3A_712 : memref<1000000x32xf32, #tpu.memory_space<hbm>>) dst(%dma_wait3A_706 : memref<100x32xf32, #tpu.memory_space<vmem>>)
      %dma_wait3A_713 = arith.constant 0 : i32
      %dma_wait3A_714 = arith.constant 1 : i32
      %dma_wait3A_715 = arith.constant 5 : i32
      %dma_wait3A_716 = arith.constant 0 : i32
      %dma_wait3A_717 = arith.constant 0 : i32
      %dma_wait3A_718 = tpu.memref_slice %arg6[%dma_wait3A_714, %dma_wait3A_715, %dma_wait3A_716, %dma_wait3A_717] : memref<2x8x100x32xf32, #tpu.memory_space<vmem>> -> memref<1x1x100x32xf32, #tpu.memory_space<vmem>>
      %dma_wait3A_719 = tpu.memref_squeeze %dma_wait3A_718 : memref<1x1x100x32xf32, #tpu.memory_space<vmem>> -> memref<100x32xf32, #tpu.memory_space<vmem>>
      %dma_wait3A_720 = arith.constant 0 : i32
      %dma_wait3A_721 = tpu.memref_slice %arg5[%dma_wait3A_713, %dma_wait3A_720] : memref<512x100xi32, #tpu.memory_space<vmem>> -> memref<1x100xi32, #tpu.memory_space<vmem>>
      %dma_wait3A_722 = tpu.memref_squeeze %dma_wait3A_721 : memref<1x100xi32, #tpu.memory_space<vmem>> -> memref<100xi32, #tpu.memory_space<vmem>>
      %dma_wait3A_723 = arith.constant 0 : i32
      %dma_wait3A_724 = arith.constant 0 : i32
      %dma_wait3A_725 = tpu.memref_slice %arg2[%dma_wait3A_723, %dma_wait3A_724] : memref<1000000x32xf32, #tpu.memory_space<hbm>> -> memref<1000000x32xf32, #tpu.memory_space<hbm>>
      tpu.wait_indirect_dma semaphore(%arg8 : memref<!tpu.dma_semaphore, #tpu.memory_space<semaphore_mem>>) src(%dma_wait3A_725 : memref<1000000x32xf32, #tpu.memory_space<hbm>>) dst(%dma_wait3A_719 : memref<100x32xf32, #tpu.memory_space<vmem>>)
      %dma_wait3A_726 = arith.constant 0 : i32
      %dma_wait3A_727 = arith.constant 1 : i32
      %dma_wait3A_728 = arith.constant 6 : i32
      %dma_wait3A_729 = arith.constant 0 : i32
      %dma_wait3A_730 = arith.constant 0 : i32
      %dma_wait3A_731 = tpu.memref_slice %arg6[%dma_wait3A_727, %dma_wait3A_728, %dma_wait3A_729, %dma_wait3A_730] : memref<2x8x100x32xf32, #tpu.memory_space<vmem>> -> memref<1x1x100x32xf32, #tpu.memory_space<vmem>>
      %dma_wait3A_732 = tpu.memref_squeeze %dma_wait3A_731 : memref<1x1x100x32xf32, #tpu.memory_space<vmem>> -> memref<100x32xf32, #tpu.memory_space<vmem>>
      %dma_wait3A_733 = arith.constant 0 : i32
      %dma_wait3A_734 = tpu.memref_slice %arg5[%dma_wait3A_726, %dma_wait3A_733] : memref<512x100xi32, #tpu.memory_space<vmem>> -> memref<1x100xi32, #tpu.memory_space<vmem>>
      %dma_wait3A_735 = tpu.memref_squeeze %dma_wait3A_734 : memref<1x100xi32, #tpu.memory_space<vmem>> -> memref<100xi32, #tpu.memory_space<vmem>>
      %dma_wait3A_736 = arith.constant 0 : i32
      %dma_wait3A_737 = arith.constant 0 : i32
      %dma_wait3A_738 = tpu.memref_slice %arg2[%dma_wait3A_736, %dma_wait3A_737] : memref<1000000x32xf32, #tpu.memory_space<hbm>> -> memref<1000000x32xf32, #tpu.memory_space<hbm>>
      tpu.wait_indirect_dma semaphore(%arg8 : memref<!tpu.dma_semaphore, #tpu.memory_space<semaphore_mem>>) src(%dma_wait3A_738 : memref<1000000x32xf32, #tpu.memory_space<hbm>>) dst(%dma_wait3A_732 : memref<100x32xf32, #tpu.memory_space<vmem>>)
      %dma_wait3A_739 = arith.constant 0 : i32
      %dma_wait3A_740 = arith.constant 1 : i32
      %dma_wait3A_741 = arith.constant 7 : i32
      %dma_wait3A_742 = arith.constant 0 : i32
      %dma_wait3A_743 = arith.constant 0 : i32
      %dma_wait3A_744 = tpu.memref_slice %arg6[%dma_wait3A_740, %dma_wait3A_741, %dma_wait3A_742, %dma_wait3A_743] : memref<2x8x100x32xf32, #tpu.memory_space<vmem>> -> memref<1x1x100x32xf32, #tpu.memory_space<vmem>>
      %dma_wait3A_745 = tpu.memref_squeeze %dma_wait3A_744 : memref<1x1x100x32xf32, #tpu.memory_space<vmem>> -> memref<100x32xf32, #tpu.memory_space<vmem>>
      %dma_wait3A_746 = arith.constant 0 : i32
      %dma_wait3A_747 = tpu.memref_slice %arg5[%dma_wait3A_739, %dma_wait3A_746] : memref<512x100xi32, #tpu.memory_space<vmem>> -> memref<1x100xi32, #tpu.memory_space<vmem>>
      %dma_wait3A_748 = tpu.memref_squeeze %dma_wait3A_747 : memref<1x100xi32, #tpu.memory_space<vmem>> -> memref<100xi32, #tpu.memory_space<vmem>>
      %dma_wait3A_749 = arith.constant 0 : i32
      %dma_wait3A_750 = arith.constant 0 : i32
      %dma_wait3A_751 = tpu.memref_slice %arg2[%dma_wait3A_749, %dma_wait3A_750] : memref<1000000x32xf32, #tpu.memory_space<hbm>> -> memref<1000000x32xf32, #tpu.memory_space<hbm>>
      tpu.wait_indirect_dma semaphore(%arg8 : memref<!tpu.dma_semaphore, #tpu.memory_space<semaphore_mem>>) src(%dma_wait3A_751 : memref<1000000x32xf32, #tpu.memory_space<hbm>>) dst(%dma_wait3A_745 : memref<100x32xf32, #tpu.memory_space<vmem>>)
      %mul3A_752 = arith.constant 8 : i32
      %mul3A_753 = arith.muli %add3A_500, %mul3A_752 : i32
      %add3A_754 = arith.addi %mul3A_2, %mul3A_753 : i32
      %dma_start3A_755 = arith.constant 1 : i32
      %dma_start3A_756 = arith.constant 0 : i32
      %dma_start3A_757 = arith.constant 0 : i32
      %dma_start3A_758 = arith.constant 0 : i32
      %dma_start3A_759 = tpu.memref_slice %arg6[%dma_start3A_755, %dma_start3A_756, %dma_start3A_757, %dma_start3A_758] : memref<2x8x100x32xf32, #tpu.memory_space<vmem>> -> memref<1x8x100x32xf32, #tpu.memory_space<vmem>>
      %dma_start3A_760 = tpu.memref_squeeze %dma_start3A_759 : memref<1x8x100x32xf32, #tpu.memory_space<vmem>> -> memref<8x100x32xf32, #tpu.memory_space<vmem>>
      %dma_start3A_761 = arith.constant 0 : i32
      %dma_start3A_762 = arith.constant 0 : i32
      %dma_start3A_763 = tpu.memref_slice %arg4[%add3A_754, %dma_start3A_761, %dma_start3A_762] : memref<16384x100x32xf32, #tpu.memory_space<hbm>> -> memref<8x100x32xf32, #tpu.memory_space<hbm>>
      %dma_start3A_764 = arith.constant 0 : i32
      %dma_start3A_765 = arith.constant 0 : i32
      %dma_start3A_766 = tpu.memref_slice %arg4[%add3A_754, %dma_start3A_764, %dma_start3A_765] : memref<16384x100x32xf32, #tpu.memory_space<hbm>> -> memref<8x100x32xf32, #tpu.memory_space<hbm>>
      %dma_start3A_767 = arith.constant 0 : i32
      %dma_start3A_768 = arith.constant 0 : i32
      %dma_start3A_769 = arith.constant 0 : i32
      %dma_start3A_770 = tpu.memref_slice %arg6[%dma_start3A_755, %dma_start3A_767, %dma_start3A_768, %dma_start3A_769] : memref<2x8x100x32xf32, #tpu.memory_space<vmem>> -> memref<1x8x100x32xf32, #tpu.memory_space<vmem>>
      %dma_start3A_771 = tpu.memref_squeeze %dma_start3A_770 : memref<1x8x100x32xf32, #tpu.memory_space<vmem>> -> memref<8x100x32xf32, #tpu.memory_space<vmem>>
      tpu.enqueue_dma source(%dma_start3A_771 : memref<8x100x32xf32, #tpu.memory_space<vmem>>) target(%dma_start3A_766 : memref<8x100x32xf32, #tpu.memory_space<hbm>>) target_semaphore(%arg10 : memref<!tpu.dma_semaphore, #tpu.memory_space<semaphore_mem>>)
      %mul3A_772 = arith.constant 2 : i32
      %mul3A_773 = arith.muli %scan3A_494, %mul3A_772 : i32
      %add3A_774 = arith.constant 1 : i32
      %add3A_775 = arith.addi %add3A_774, %mul3A_773 : i32
      %add3A_776 = arith.constant 1 : i32
      %add3A_777 = arith.addi %add3A_775, %add3A_776 : i32
      %dma_wait3A_778 = arith.constant 1 : i32
      %dma_wait3A_779 = arith.constant 0 : i32
      %dma_wait3A_780 = arith.constant 0 : i32
      %dma_wait3A_781 = arith.constant 0 : i32
      %dma_wait3A_782 = tpu.memref_slice %arg6[%dma_wait3A_778, %dma_wait3A_779, %dma_wait3A_780, %dma_wait3A_781] : memref<2x8x100x32xf32, #tpu.memory_space<vmem>> -> memref<1x8x100x32xf32, #tpu.memory_space<vmem>>
      %dma_wait3A_783 = tpu.memref_squeeze %dma_wait3A_782 : memref<1x8x100x32xf32, #tpu.memory_space<vmem>> -> memref<8x100x32xf32, #tpu.memory_space<vmem>>
      %dma_wait3A_784 = arith.constant 0 : i32
      %dma_wait3A_785 = arith.constant 0 : i32
      %dma_wait3A_786 = tpu.memref_slice %arg4[%mul3A_2, %dma_wait3A_784, %dma_wait3A_785] : memref<16384x100x32xf32, #tpu.memory_space<hbm>> -> memref<8x100x32xf32, #tpu.memory_space<hbm>>
      %dma_wait3A_787 = arith.constant 0 : i32
      %dma_wait3A_788 = arith.constant 0 : i32
      %dma_wait3A_789 = tpu.memref_slice %arg4[%mul3A_2, %dma_wait3A_787, %dma_wait3A_788] : memref<16384x100x32xf32, #tpu.memory_space<hbm>> -> memref<8x100x32xf32, #tpu.memory_space<hbm>>
      %dma_wait3A_790 = arith.constant 0 : i32
      %dma_wait3A_791 = arith.constant 0 : i32
      %dma_wait3A_792 = arith.constant 0 : i32
      %dma_wait3A_793 = tpu.memref_slice %arg6[%dma_wait3A_778, %dma_wait3A_790, %dma_wait3A_791, %dma_wait3A_792] : memref<2x8x100x32xf32, #tpu.memory_space<vmem>> -> memref<1x8x100x32xf32, #tpu.memory_space<vmem>>
      %dma_wait3A_794 = tpu.memref_squeeze %dma_wait3A_793 : memref<1x8x100x32xf32, #tpu.memory_space<vmem>> -> memref<8x100x32xf32, #tpu.memory_space<vmem>>
      tpu.wait_dma2 semaphore(%arg10 : memref<!tpu.dma_semaphore, #tpu.memory_space<semaphore_mem>>) src(%dma_wait3A_794 : memref<8x100x32xf32, #tpu.memory_space<vmem>>) dst(%dma_wait3A_789 : memref<8x100x32xf32, #tpu.memory_space<hbm>>)
      %add3A_795 = arith.constant 1 : i32
      %add3A_796 = arith.addi %add3A_777, %add3A_795 : i32
      %mul3A_797 = arith.constant 8 : i32
      %mul3A_798 = arith.muli %add3A_796, %mul3A_797 : i32
      %add3A_799 = arith.constant 0 : i32
      %add3A_800 = arith.addi %mul3A_798, %add3A_799 : i32
      %dma_start3A_801 = arith.constant 1 : i32
      %dma_start3A_802 = arith.constant 0 : i32
      %dma_start3A_803 = arith.constant 0 : i32
      %dma_start3A_804 = arith.constant 0 : i32
      %dma_start3A_805 = tpu.memref_slice %arg6[%dma_start3A_801, %dma_start3A_802, %dma_start3A_803, %dma_start3A_804] : memref<2x8x100x32xf32, #tpu.memory_space<vmem>> -> memref<1x1x100x32xf32, #tpu.memory_space<vmem>>
      %dma_start3A_806 = tpu.memref_squeeze %dma_start3A_805 : memref<1x1x100x32xf32, #tpu.memory_space<vmem>> -> memref<100x32xf32, #tpu.memory_space<vmem>>
      %dma_start3A_807 = arith.constant 0 : i32
      %dma_start3A_808 = tpu.memref_slice %arg5[%add3A_800, %dma_start3A_807] : memref<512x100xi32, #tpu.memory_space<vmem>> -> memref<1x100xi32, #tpu.memory_space<vmem>>
      %dma_start3A_809 = tpu.memref_squeeze %dma_start3A_808 : memref<1x100xi32, #tpu.memory_space<vmem>> -> memref<100xi32, #tpu.memory_space<vmem>>
      %dma_start3A_810 = arith.constant 0 : i32
      %dma_start3A_811 = arith.constant 0 : i32
      %dma_start3A_812 = tpu.memref_slice %arg2[%dma_start3A_810, %dma_start3A_811] : memref<1000000x32xf32, #tpu.memory_space<hbm>> -> memref<1000000x32xf32, #tpu.memory_space<hbm>>
      tpu.enqueue_indirect_dma source(%dma_start3A_812 : memref<1000000x32xf32, #tpu.memory_space<hbm>>) target(%dma_start3A_806 : memref<100x32xf32, #tpu.memory_space<vmem>>) offsets(%dma_start3A_809 : memref<100xi32, #tpu.memory_space<vmem>>) semaphore(%arg8 : memref<!tpu.dma_semaphore, #tpu.memory_space<semaphore_mem>>)
      %mul3A_813 = arith.constant 8 : i32
      %mul3A_814 = arith.muli %add3A_796, %mul3A_813 : i32
      %add3A_815 = arith.constant 1 : i32
      %add3A_816 = arith.addi %mul3A_814, %add3A_815 : i32
      %dma_start3A_817 = arith.constant 1 : i32
      %dma_start3A_818 = arith.constant 1 : i32
      %dma_start3A_819 = arith.constant 0 : i32
      %dma_start3A_820 = arith.constant 0 : i32
      %dma_start3A_821 = tpu.memref_slice %arg6[%dma_start3A_817, %dma_start3A_818, %dma_start3A_819, %dma_start3A_820] : memref<2x8x100x32xf32, #tpu.memory_space<vmem>> -> memref<1x1x100x32xf32, #tpu.memory_space<vmem>>
      %dma_start3A_822 = tpu.memref_squeeze %dma_start3A_821 : memref<1x1x100x32xf32, #tpu.memory_space<vmem>> -> memref<100x32xf32, #tpu.memory_space<vmem>>
      %dma_start3A_823 = arith.constant 0 : i32
      %dma_start3A_824 = tpu.memref_slice %arg5[%add3A_816, %dma_start3A_823] : memref<512x100xi32, #tpu.memory_space<vmem>> -> memref<1x100xi32, #tpu.memory_space<vmem>>
      %dma_start3A_825 = tpu.memref_squeeze %dma_start3A_824 : memref<1x100xi32, #tpu.memory_space<vmem>> -> memref<100xi32, #tpu.memory_space<vmem>>
      %dma_start3A_826 = arith.constant 0 : i32
      %dma_start3A_827 = arith.constant 0 : i32
      %dma_start3A_828 = tpu.memref_slice %arg2[%dma_start3A_826, %dma_start3A_827] : memref<1000000x32xf32, #tpu.memory_space<hbm>> -> memref<1000000x32xf32, #tpu.memory_space<hbm>>
      tpu.enqueue_indirect_dma source(%dma_start3A_828 : memref<1000000x32xf32, #tpu.memory_space<hbm>>) target(%dma_start3A_822 : memref<100x32xf32, #tpu.memory_space<vmem>>) offsets(%dma_start3A_825 : memref<100xi32, #tpu.memory_space<vmem>>) semaphore(%arg8 : memref<!tpu.dma_semaphore, #tpu.memory_space<semaphore_mem>>)
      %mul3A_829 = arith.constant 8 : i32
      %mul3A_830 = arith.muli %add3A_796, %mul3A_829 : i32
      %add3A_831 = arith.constant 2 : i32
      %add3A_832 = arith.addi %mul3A_830, %add3A_831 : i32
      %dma_start3A_833 = arith.constant 1 : i32
      %dma_start3A_834 = arith.constant 2 : i32
      %dma_start3A_835 = arith.constant 0 : i32
      %dma_start3A_836 = arith.constant 0 : i32
      %dma_start3A_837 = tpu.memref_slice %arg6[%dma_start3A_833, %dma_start3A_834, %dma_start3A_835, %dma_start3A_836] : memref<2x8x100x32xf32, #tpu.memory_space<vmem>> -> memref<1x1x100x32xf32, #tpu.memory_space<vmem>>
      %dma_start3A_838 = tpu.memref_squeeze %dma_start3A_837 : memref<1x1x100x32xf32, #tpu.memory_space<vmem>> -> memref<100x32xf32, #tpu.memory_space<vmem>>
      %dma_start3A_839 = arith.constant 0 : i32
      %dma_start3A_840 = tpu.memref_slice %arg5[%add3A_832, %dma_start3A_839] : memref<512x100xi32, #tpu.memory_space<vmem>> -> memref<1x100xi32, #tpu.memory_space<vmem>>
      %dma_start3A_841 = tpu.memref_squeeze %dma_start3A_840 : memref<1x100xi32, #tpu.memory_space<vmem>> -> memref<100xi32, #tpu.memory_space<vmem>>
      %dma_start3A_842 = arith.constant 0 : i32
      %dma_start3A_843 = arith.constant 0 : i32
      %dma_start3A_844 = tpu.memref_slice %arg2[%dma_start3A_842, %dma_start3A_843] : memref<1000000x32xf32, #tpu.memory_space<hbm>> -> memref<1000000x32xf32, #tpu.memory_space<hbm>>
      tpu.enqueue_indirect_dma source(%dma_start3A_844 : memref<1000000x32xf32, #tpu.memory_space<hbm>>) target(%dma_start3A_838 : memref<100x32xf32, #tpu.memory_space<vmem>>) offsets(%dma_start3A_841 : memref<100xi32, #tpu.memory_space<vmem>>) semaphore(%arg8 : memref<!tpu.dma_semaphore, #tpu.memory_space<semaphore_mem>>)
      %mul3A_845 = arith.constant 8 : i32
      %mul3A_846 = arith.muli %add3A_796, %mul3A_845 : i32
      %add3A_847 = arith.constant 3 : i32
      %add3A_848 = arith.addi %mul3A_846, %add3A_847 : i32
      %dma_start3A_849 = arith.constant 1 : i32
      %dma_start3A_850 = arith.constant 3 : i32
      %dma_start3A_851 = arith.constant 0 : i32
      %dma_start3A_852 = arith.constant 0 : i32
      %dma_start3A_853 = tpu.memref_slice %arg6[%dma_start3A_849, %dma_start3A_850, %dma_start3A_851, %dma_start3A_852] : memref<2x8x100x32xf32, #tpu.memory_space<vmem>> -> memref<1x1x100x32xf32, #tpu.memory_space<vmem>>
      %dma_start3A_854 = tpu.memref_squeeze %dma_start3A_853 : memref<1x1x100x32xf32, #tpu.memory_space<vmem>> -> memref<100x32xf32, #tpu.memory_space<vmem>>
      %dma_start3A_855 = arith.constant 0 : i32
      %dma_start3A_856 = tpu.memref_slice %arg5[%add3A_848, %dma_start3A_855] : memref<512x100xi32, #tpu.memory_space<vmem>> -> memref<1x100xi32, #tpu.memory_space<vmem>>
      %dma_start3A_857 = tpu.memref_squeeze %dma_start3A_856 : memref<1x100xi32, #tpu.memory_space<vmem>> -> memref<100xi32, #tpu.memory_space<vmem>>
      %dma_start3A_858 = arith.constant 0 : i32
      %dma_start3A_859 = arith.constant 0 : i32
      %dma_start3A_860 = tpu.memref_slice %arg2[%dma_start3A_858, %dma_start3A_859] : memref<1000000x32xf32, #tpu.memory_space<hbm>> -> memref<1000000x32xf32, #tpu.memory_space<hbm>>
      tpu.enqueue_indirect_dma source(%dma_start3A_860 : memref<1000000x32xf32, #tpu.memory_space<hbm>>) target(%dma_start3A_854 : memref<100x32xf32, #tpu.memory_space<vmem>>) offsets(%dma_start3A_857 : memref<100xi32, #tpu.memory_space<vmem>>) semaphore(%arg8 : memref<!tpu.dma_semaphore, #tpu.memory_space<semaphore_mem>>)
      %mul3A_861 = arith.constant 8 : i32
      %mul3A_862 = arith.muli %add3A_796, %mul3A_861 : i32
      %add3A_863 = arith.constant 4 : i32
      %add3A_864 = arith.addi %mul3A_862, %add3A_863 : i32
      %dma_start3A_865 = arith.constant 1 : i32
      %dma_start3A_866 = arith.constant 4 : i32
      %dma_start3A_867 = arith.constant 0 : i32
      %dma_start3A_868 = arith.constant 0 : i32
      %dma_start3A_869 = tpu.memref_slice %arg6[%dma_start3A_865, %dma_start3A_866, %dma_start3A_867, %dma_start3A_868] : memref<2x8x100x32xf32, #tpu.memory_space<vmem>> -> memref<1x1x100x32xf32, #tpu.memory_space<vmem>>
      %dma_start3A_870 = tpu.memref_squeeze %dma_start3A_869 : memref<1x1x100x32xf32, #tpu.memory_space<vmem>> -> memref<100x32xf32, #tpu.memory_space<vmem>>
      %dma_start3A_871 = arith.constant 0 : i32
      %dma_start3A_872 = tpu.memref_slice %arg5[%add3A_864, %dma_start3A_871] : memref<512x100xi32, #tpu.memory_space<vmem>> -> memref<1x100xi32, #tpu.memory_space<vmem>>
      %dma_start3A_873 = tpu.memref_squeeze %dma_start3A_872 : memref<1x100xi32, #tpu.memory_space<vmem>> -> memref<100xi32, #tpu.memory_space<vmem>>
      %dma_start3A_874 = arith.constant 0 : i32
      %dma_start3A_875 = arith.constant 0 : i32
      %dma_start3A_876 = tpu.memref_slice %arg2[%dma_start3A_874, %dma_start3A_875] : memref<1000000x32xf32, #tpu.memory_space<hbm>> -> memref<1000000x32xf32, #tpu.memory_space<hbm>>
      tpu.enqueue_indirect_dma source(%dma_start3A_876 : memref<1000000x32xf32, #tpu.memory_space<hbm>>) target(%dma_start3A_870 : memref<100x32xf32, #tpu.memory_space<vmem>>) offsets(%dma_start3A_873 : memref<100xi32, #tpu.memory_space<vmem>>) semaphore(%arg8 : memref<!tpu.dma_semaphore, #tpu.memory_space<semaphore_mem>>)
      %mul3A_877 = arith.constant 8 : i32
      %mul3A_878 = arith.muli %add3A_796, %mul3A_877 : i32
      %add3A_879 = arith.constant 5 : i32
      %add3A_880 = arith.addi %mul3A_878, %add3A_879 : i32
      %dma_start3A_881 = arith.constant 1 : i32
      %dma_start3A_882 = arith.constant 5 : i32
      %dma_start3A_883 = arith.constant 0 : i32
      %dma_start3A_884 = arith.constant 0 : i32
      %dma_start3A_885 = tpu.memref_slice %arg6[%dma_start3A_881, %dma_start3A_882, %dma_start3A_883, %dma_start3A_884] : memref<2x8x100x32xf32, #tpu.memory_space<vmem>> -> memref<1x1x100x32xf32, #tpu.memory_space<vmem>>
      %dma_start3A_886 = tpu.memref_squeeze %dma_start3A_885 : memref<1x1x100x32xf32, #tpu.memory_space<vmem>> -> memref<100x32xf32, #tpu.memory_space<vmem>>
      %dma_start3A_887 = arith.constant 0 : i32
      %dma_start3A_888 = tpu.memref_slice %arg5[%add3A_880, %dma_start3A_887] : memref<512x100xi32, #tpu.memory_space<vmem>> -> memref<1x100xi32, #tpu.memory_space<vmem>>
      %dma_start3A_889 = tpu.memref_squeeze %dma_start3A_888 : memref<1x100xi32, #tpu.memory_space<vmem>> -> memref<100xi32, #tpu.memory_space<vmem>>
      %dma_start3A_890 = arith.constant 0 : i32
      %dma_start3A_891 = arith.constant 0 : i32
      %dma_start3A_892 = tpu.memref_slice %arg2[%dma_start3A_890, %dma_start3A_891] : memref<1000000x32xf32, #tpu.memory_space<hbm>> -> memref<1000000x32xf32, #tpu.memory_space<hbm>>
      tpu.enqueue_indirect_dma source(%dma_start3A_892 : memref<1000000x32xf32, #tpu.memory_space<hbm>>) target(%dma_start3A_886 : memref<100x32xf32, #tpu.memory_space<vmem>>) offsets(%dma_start3A_889 : memref<100xi32, #tpu.memory_space<vmem>>) semaphore(%arg8 : memref<!tpu.dma_semaphore, #tpu.memory_space<semaphore_mem>>)
      %mul3A_893 = arith.constant 8 : i32
      %mul3A_894 = arith.muli %add3A_796, %mul3A_893 : i32
      %add3A_895 = arith.constant 6 : i32
      %add3A_896 = arith.addi %mul3A_894, %add3A_895 : i32
      %dma_start3A_897 = arith.constant 1 : i32
      %dma_start3A_898 = arith.constant 6 : i32
      %dma_start3A_899 = arith.constant 0 : i32
      %dma_start3A_900 = arith.constant 0 : i32
      %dma_start3A_901 = tpu.memref_slice %arg6[%dma_start3A_897, %dma_start3A_898, %dma_start3A_899, %dma_start3A_900] : memref<2x8x100x32xf32, #tpu.memory_space<vmem>> -> memref<1x1x100x32xf32, #tpu.memory_space<vmem>>
      %dma_start3A_902 = tpu.memref_squeeze %dma_start3A_901 : memref<1x1x100x32xf32, #tpu.memory_space<vmem>> -> memref<100x32xf32, #tpu.memory_space<vmem>>
      %dma_start3A_903 = arith.constant 0 : i32
      %dma_start3A_904 = tpu.memref_slice %arg5[%add3A_896, %dma_start3A_903] : memref<512x100xi32, #tpu.memory_space<vmem>> -> memref<1x100xi32, #tpu.memory_space<vmem>>
      %dma_start3A_905 = tpu.memref_squeeze %dma_start3A_904 : memref<1x100xi32, #tpu.memory_space<vmem>> -> memref<100xi32, #tpu.memory_space<vmem>>
      %dma_start3A_906 = arith.constant 0 : i32
      %dma_start3A_907 = arith.constant 0 : i32
      %dma_start3A_908 = tpu.memref_slice %arg2[%dma_start3A_906, %dma_start3A_907] : memref<1000000x32xf32, #tpu.memory_space<hbm>> -> memref<1000000x32xf32, #tpu.memory_space<hbm>>
      tpu.enqueue_indirect_dma source(%dma_start3A_908 : memref<1000000x32xf32, #tpu.memory_space<hbm>>) target(%dma_start3A_902 : memref<100x32xf32, #tpu.memory_space<vmem>>) offsets(%dma_start3A_905 : memref<100xi32, #tpu.memory_space<vmem>>) semaphore(%arg8 : memref<!tpu.dma_semaphore, #tpu.memory_space<semaphore_mem>>)
      %mul3A_909 = arith.constant 8 : i32
      %mul3A_910 = arith.muli %add3A_796, %mul3A_909 : i32
      %add3A_911 = arith.constant 7 : i32
      %add3A_912 = arith.addi %mul3A_910, %add3A_911 : i32
      %dma_start3A_913 = arith.constant 1 : i32
      %dma_start3A_914 = arith.constant 7 : i32
      %dma_start3A_915 = arith.constant 0 : i32
      %dma_start3A_916 = arith.constant 0 : i32
      %dma_start3A_917 = tpu.memref_slice %arg6[%dma_start3A_913, %dma_start3A_914, %dma_start3A_915, %dma_start3A_916] : memref<2x8x100x32xf32, #tpu.memory_space<vmem>> -> memref<1x1x100x32xf32, #tpu.memory_space<vmem>>
      %dma_start3A_918 = tpu.memref_squeeze %dma_start3A_917 : memref<1x1x100x32xf32, #tpu.memory_space<vmem>> -> memref<100x32xf32, #tpu.memory_space<vmem>>
      %dma_start3A_919 = arith.constant 0 : i32
      %dma_start3A_920 = tpu.memref_slice %arg5[%add3A_912, %dma_start3A_919] : memref<512x100xi32, #tpu.memory_space<vmem>> -> memref<1x100xi32, #tpu.memory_space<vmem>>
      %dma_start3A_921 = tpu.memref_squeeze %dma_start3A_920 : memref<1x100xi32, #tpu.memory_space<vmem>> -> memref<100xi32, #tpu.memory_space<vmem>>
      %dma_start3A_922 = arith.constant 0 : i32
      %dma_start3A_923 = arith.constant 0 : i32
      %dma_start3A_924 = tpu.memref_slice %arg2[%dma_start3A_922, %dma_start3A_923] : memref<1000000x32xf32, #tpu.memory_space<hbm>> -> memref<1000000x32xf32, #tpu.memory_space<hbm>>
      tpu.enqueue_indirect_dma source(%dma_start3A_924 : memref<1000000x32xf32, #tpu.memory_space<hbm>>) target(%dma_start3A_918 : memref<100x32xf32, #tpu.memory_space<vmem>>) offsets(%dma_start3A_921 : memref<100xi32, #tpu.memory_space<vmem>>) semaphore(%arg8 : memref<!tpu.dma_semaphore, #tpu.memory_space<semaphore_mem>>)
      %dma_wait3A_925 = arith.constant 0 : i32
      %dma_wait3A_926 = arith.constant 0 : i32
      %dma_wait3A_927 = arith.constant 0 : i32
      %dma_wait3A_928 = arith.constant 0 : i32
      %dma_wait3A_929 = arith.constant 0 : i32
      %dma_wait3A_930 = tpu.memref_slice %arg6[%dma_wait3A_926, %dma_wait3A_927, %dma_wait3A_928, %dma_wait3A_929] : memref<2x8x100x32xf32, #tpu.memory_space<vmem>> -> memref<1x1x100x32xf32, #tpu.memory_space<vmem>>
      %dma_wait3A_931 = tpu.memref_squeeze %dma_wait3A_930 : memref<1x1x100x32xf32, #tpu.memory_space<vmem>> -> memref<100x32xf32, #tpu.memory_space<vmem>>
      %dma_wait3A_932 = arith.constant 0 : i32
      %dma_wait3A_933 = tpu.memref_slice %arg5[%dma_wait3A_925, %dma_wait3A_932] : memref<512x100xi32, #tpu.memory_space<vmem>> -> memref<1x100xi32, #tpu.memory_space<vmem>>
      %dma_wait3A_934 = tpu.memref_squeeze %dma_wait3A_933 : memref<1x100xi32, #tpu.memory_space<vmem>> -> memref<100xi32, #tpu.memory_space<vmem>>
      %dma_wait3A_935 = arith.constant 0 : i32
      %dma_wait3A_936 = arith.constant 0 : i32
      %dma_wait3A_937 = tpu.memref_slice %arg2[%dma_wait3A_935, %dma_wait3A_936] : memref<1000000x32xf32, #tpu.memory_space<hbm>> -> memref<1000000x32xf32, #tpu.memory_space<hbm>>
      tpu.wait_indirect_dma semaphore(%arg7 : memref<!tpu.dma_semaphore, #tpu.memory_space<semaphore_mem>>) src(%dma_wait3A_937 : memref<1000000x32xf32, #tpu.memory_space<hbm>>) dst(%dma_wait3A_931 : memref<100x32xf32, #tpu.memory_space<vmem>>)
      %dma_wait3A_938 = arith.constant 0 : i32
      %dma_wait3A_939 = arith.constant 0 : i32
      %dma_wait3A_940 = arith.constant 1 : i32
      %dma_wait3A_941 = arith.constant 0 : i32
      %dma_wait3A_942 = arith.constant 0 : i32
      %dma_wait3A_943 = tpu.memref_slice %arg6[%dma_wait3A_939, %dma_wait3A_940, %dma_wait3A_941, %dma_wait3A_942] : memref<2x8x100x32xf32, #tpu.memory_space<vmem>> -> memref<1x1x100x32xf32, #tpu.memory_space<vmem>>
      %dma_wait3A_944 = tpu.memref_squeeze %dma_wait3A_943 : memref<1x1x100x32xf32, #tpu.memory_space<vmem>> -> memref<100x32xf32, #tpu.memory_space<vmem>>
      %dma_wait3A_945 = arith.constant 0 : i32
      %dma_wait3A_946 = tpu.memref_slice %arg5[%dma_wait3A_938, %dma_wait3A_945] : memref<512x100xi32, #tpu.memory_space<vmem>> -> memref<1x100xi32, #tpu.memory_space<vmem>>
      %dma_wait3A_947 = tpu.memref_squeeze %dma_wait3A_946 : memref<1x100xi32, #tpu.memory_space<vmem>> -> memref<100xi32, #tpu.memory_space<vmem>>
      %dma_wait3A_948 = arith.constant 0 : i32
      %dma_wait3A_949 = arith.constant 0 : i32
      %dma_wait3A_950 = tpu.memref_slice %arg2[%dma_wait3A_948, %dma_wait3A_949] : memref<1000000x32xf32, #tpu.memory_space<hbm>> -> memref<1000000x32xf32, #tpu.memory_space<hbm>>
      tpu.wait_indirect_dma semaphore(%arg7 : memref<!tpu.dma_semaphore, #tpu.memory_space<semaphore_mem>>) src(%dma_wait3A_950 : memref<1000000x32xf32, #tpu.memory_space<hbm>>) dst(%dma_wait3A_944 : memref<100x32xf32, #tpu.memory_space<vmem>>)
      %dma_wait3A_951 = arith.constant 0 : i32
      %dma_wait3A_952 = arith.constant 0 : i32
      %dma_wait3A_953 = arith.constant 2 : i32
      %dma_wait3A_954 = arith.constant 0 : i32
      %dma_wait3A_955 = arith.constant 0 : i32
      %dma_wait3A_956 = tpu.memref_slice %arg6[%dma_wait3A_952, %dma_wait3A_953, %dma_wait3A_954, %dma_wait3A_955] : memref<2x8x100x32xf32, #tpu.memory_space<vmem>> -> memref<1x1x100x32xf32, #tpu.memory_space<vmem>>
      %dma_wait3A_957 = tpu.memref_squeeze %dma_wait3A_956 : memref<1x1x100x32xf32, #tpu.memory_space<vmem>> -> memref<100x32xf32, #tpu.memory_space<vmem>>
      %dma_wait3A_958 = arith.constant 0 : i32
      %dma_wait3A_959 = tpu.memref_slice %arg5[%dma_wait3A_951, %dma_wait3A_958] : memref<512x100xi32, #tpu.memory_space<vmem>> -> memref<1x100xi32, #tpu.memory_space<vmem>>
      %dma_wait3A_960 = tpu.memref_squeeze %dma_wait3A_959 : memref<1x100xi32, #tpu.memory_space<vmem>> -> memref<100xi32, #tpu.memory_space<vmem>>
      %dma_wait3A_961 = arith.constant 0 : i32
      %dma_wait3A_962 = arith.constant 0 : i32
      %dma_wait3A_963 = tpu.memref_slice %arg2[%dma_wait3A_961, %dma_wait3A_962] : memref<1000000x32xf32, #tpu.memory_space<hbm>> -> memref<1000000x32xf32, #tpu.memory_space<hbm>>
      tpu.wait_indirect_dma semaphore(%arg7 : memref<!tpu.dma_semaphore, #tpu.memory_space<semaphore_mem>>) src(%dma_wait3A_963 : memref<1000000x32xf32, #tpu.memory_space<hbm>>) dst(%dma_wait3A_957 : memref<100x32xf32, #tpu.memory_space<vmem>>)
      %dma_wait3A_964 = arith.constant 0 : i32
      %dma_wait3A_965 = arith.constant 0 : i32
      %dma_wait3A_966 = arith.constant 3 : i32
      %dma_wait3A_967 = arith.constant 0 : i32
      %dma_wait3A_968 = arith.constant 0 : i32
      %dma_wait3A_969 = tpu.memref_slice %arg6[%dma_wait3A_965, %dma_wait3A_966, %dma_wait3A_967, %dma_wait3A_968] : memref<2x8x100x32xf32, #tpu.memory_space<vmem>> -> memref<1x1x100x32xf32, #tpu.memory_space<vmem>>
      %dma_wait3A_970 = tpu.memref_squeeze %dma_wait3A_969 : memref<1x1x100x32xf32, #tpu.memory_space<vmem>> -> memref<100x32xf32, #tpu.memory_space<vmem>>
      %dma_wait3A_971 = arith.constant 0 : i32
      %dma_wait3A_972 = tpu.memref_slice %arg5[%dma_wait3A_964, %dma_wait3A_971] : memref<512x100xi32, #tpu.memory_space<vmem>> -> memref<1x100xi32, #tpu.memory_space<vmem>>
      %dma_wait3A_973 = tpu.memref_squeeze %dma_wait3A_972 : memref<1x100xi32, #tpu.memory_space<vmem>> -> memref<100xi32, #tpu.memory_space<vmem>>
      %dma_wait3A_974 = arith.constant 0 : i32
      %dma_wait3A_975 = arith.constant 0 : i32
      %dma_wait3A_976 = tpu.memref_slice %arg2[%dma_wait3A_974, %dma_wait3A_975] : memref<1000000x32xf32, #tpu.memory_space<hbm>> -> memref<1000000x32xf32, #tpu.memory_space<hbm>>
      tpu.wait_indirect_dma semaphore(%arg7 : memref<!tpu.dma_semaphore, #tpu.memory_space<semaphore_mem>>) src(%dma_wait3A_976 : memref<1000000x32xf32, #tpu.memory_space<hbm>>) dst(%dma_wait3A_970 : memref<100x32xf32, #tpu.memory_space<vmem>>)
      %dma_wait3A_977 = arith.constant 0 : i32
      %dma_wait3A_978 = arith.constant 0 : i32
      %dma_wait3A_979 = arith.constant 4 : i32
      %dma_wait3A_980 = arith.constant 0 : i32
      %dma_wait3A_981 = arith.constant 0 : i32
      %dma_wait3A_982 = tpu.memref_slice %arg6[%dma_wait3A_978, %dma_wait3A_979, %dma_wait3A_980, %dma_wait3A_981] : memref<2x8x100x32xf32, #tpu.memory_space<vmem>> -> memref<1x1x100x32xf32, #tpu.memory_space<vmem>>
      %dma_wait3A_983 = tpu.memref_squeeze %dma_wait3A_982 : memref<1x1x100x32xf32, #tpu.memory_space<vmem>> -> memref<100x32xf32, #tpu.memory_space<vmem>>
      %dma_wait3A_984 = arith.constant 0 : i32
      %dma_wait3A_985 = tpu.memref_slice %arg5[%dma_wait3A_977, %dma_wait3A_984] : memref<512x100xi32, #tpu.memory_space<vmem>> -> memref<1x100xi32, #tpu.memory_space<vmem>>
      %dma_wait3A_986 = tpu.memref_squeeze %dma_wait3A_985 : memref<1x100xi32, #tpu.memory_space<vmem>> -> memref<100xi32, #tpu.memory_space<vmem>>
      %dma_wait3A_987 = arith.constant 0 : i32
      %dma_wait3A_988 = arith.constant 0 : i32
      %dma_wait3A_989 = tpu.memref_slice %arg2[%dma_wait3A_987, %dma_wait3A_988] : memref<1000000x32xf32, #tpu.memory_space<hbm>> -> memref<1000000x32xf32, #tpu.memory_space<hbm>>
      tpu.wait_indirect_dma semaphore(%arg7 : memref<!tpu.dma_semaphore, #tpu.memory_space<semaphore_mem>>) src(%dma_wait3A_989 : memref<1000000x32xf32, #tpu.memory_space<hbm>>) dst(%dma_wait3A_983 : memref<100x32xf32, #tpu.memory_space<vmem>>)
      %dma_wait3A_990 = arith.constant 0 : i32
      %dma_wait3A_991 = arith.constant 0 : i32
      %dma_wait3A_992 = arith.constant 5 : i32
      %dma_wait3A_993 = arith.constant 0 : i32
      %dma_wait3A_994 = arith.constant 0 : i32
      %dma_wait3A_995 = tpu.memref_slice %arg6[%dma_wait3A_991, %dma_wait3A_992, %dma_wait3A_993, %dma_wait3A_994] : memref<2x8x100x32xf32, #tpu.memory_space<vmem>> -> memref<1x1x100x32xf32, #tpu.memory_space<vmem>>
      %dma_wait3A_996 = tpu.memref_squeeze %dma_wait3A_995 : memref<1x1x100x32xf32, #tpu.memory_space<vmem>> -> memref<100x32xf32, #tpu.memory_space<vmem>>
      %dma_wait3A_997 = arith.constant 0 : i32
      %dma_wait3A_998 = tpu.memref_slice %arg5[%dma_wait3A_990, %dma_wait3A_997] : memref<512x100xi32, #tpu.memory_space<vmem>> -> memref<1x100xi32, #tpu.memory_space<vmem>>
      %dma_wait3A_999 = tpu.memref_squeeze %dma_wait3A_998 : memref<1x100xi32, #tpu.memory_space<vmem>> -> memref<100xi32, #tpu.memory_space<vmem>>
      %dma_wait3A_1000 = arith.constant 0 : i32
      %dma_wait3A_1001 = arith.constant 0 : i32
      %dma_wait3A_1002 = tpu.memref_slice %arg2[%dma_wait3A_1000, %dma_wait3A_1001] : memref<1000000x32xf32, #tpu.memory_space<hbm>> -> memref<1000000x32xf32, #tpu.memory_space<hbm>>
      tpu.wait_indirect_dma semaphore(%arg7 : memref<!tpu.dma_semaphore, #tpu.memory_space<semaphore_mem>>) src(%dma_wait3A_1002 : memref<1000000x32xf32, #tpu.memory_space<hbm>>) dst(%dma_wait3A_996 : memref<100x32xf32, #tpu.memory_space<vmem>>)
      %dma_wait3A_1003 = arith.constant 0 : i32
      %dma_wait3A_1004 = arith.constant 0 : i32
      %dma_wait3A_1005 = arith.constant 6 : i32
      %dma_wait3A_1006 = arith.constant 0 : i32
      %dma_wait3A_1007 = arith.constant 0 : i32
      %dma_wait3A_1008 = tpu.memref_slice %arg6[%dma_wait3A_1004, %dma_wait3A_1005, %dma_wait3A_1006, %dma_wait3A_1007] : memref<2x8x100x32xf32, #tpu.memory_space<vmem>> -> memref<1x1x100x32xf32, #tpu.memory_space<vmem>>
      %dma_wait3A_1009 = tpu.memref_squeeze %dma_wait3A_1008 : memref<1x1x100x32xf32, #tpu.memory_space<vmem>> -> memref<100x32xf32, #tpu.memory_space<vmem>>
      %dma_wait3A_1010 = arith.constant 0 : i32
      %dma_wait3A_1011 = tpu.memref_slice %arg5[%dma_wait3A_1003, %dma_wait3A_1010] : memref<512x100xi32, #tpu.memory_space<vmem>> -> memref<1x100xi32, #tpu.memory_space<vmem>>
      %dma_wait3A_1012 = tpu.memref_squeeze %dma_wait3A_1011 : memref<1x100xi32, #tpu.memory_space<vmem>> -> memref<100xi32, #tpu.memory_space<vmem>>
      %dma_wait3A_1013 = arith.constant 0 : i32
      %dma_wait3A_1014 = arith.constant 0 : i32
      %dma_wait3A_1015 = tpu.memref_slice %arg2[%dma_wait3A_1013, %dma_wait3A_1014] : memref<1000000x32xf32, #tpu.memory_space<hbm>> -> memref<1000000x32xf32, #tpu.memory_space<hbm>>
      tpu.wait_indirect_dma semaphore(%arg7 : memref<!tpu.dma_semaphore, #tpu.memory_space<semaphore_mem>>) src(%dma_wait3A_1015 : memref<1000000x32xf32, #tpu.memory_space<hbm>>) dst(%dma_wait3A_1009 : memref<100x32xf32, #tpu.memory_space<vmem>>)
      %dma_wait3A_1016 = arith.constant 0 : i32
      %dma_wait3A_1017 = arith.constant 0 : i32
      %dma_wait3A_1018 = arith.constant 7 : i32
      %dma_wait3A_1019 = arith.constant 0 : i32
      %dma_wait3A_1020 = arith.constant 0 : i32
      %dma_wait3A_1021 = tpu.memref_slice %arg6[%dma_wait3A_1017, %dma_wait3A_1018, %dma_wait3A_1019, %dma_wait3A_1020] : memref<2x8x100x32xf32, #tpu.memory_space<vmem>> -> memref<1x1x100x32xf32, #tpu.memory_space<vmem>>
      %dma_wait3A_1022 = tpu.memref_squeeze %dma_wait3A_1021 : memref<1x1x100x32xf32, #tpu.memory_space<vmem>> -> memref<100x32xf32, #tpu.memory_space<vmem>>
      %dma_wait3A_1023 = arith.constant 0 : i32
      %dma_wait3A_1024 = tpu.memref_slice %arg5[%dma_wait3A_1016, %dma_wait3A_1023] : memref<512x100xi32, #tpu.memory_space<vmem>> -> memref<1x100xi32, #tpu.memory_space<vmem>>
      %dma_wait3A_1025 = tpu.memref_squeeze %dma_wait3A_1024 : memref<1x100xi32, #tpu.memory_space<vmem>> -> memref<100xi32, #tpu.memory_space<vmem>>
      %dma_wait3A_1026 = arith.constant 0 : i32
      %dma_wait3A_1027 = arith.constant 0 : i32
      %dma_wait3A_1028 = tpu.memref_slice %arg2[%dma_wait3A_1026, %dma_wait3A_1027] : memref<1000000x32xf32, #tpu.memory_space<hbm>> -> memref<1000000x32xf32, #tpu.memory_space<hbm>>
      tpu.wait_indirect_dma semaphore(%arg7 : memref<!tpu.dma_semaphore, #tpu.memory_space<semaphore_mem>>) src(%dma_wait3A_1028 : memref<1000000x32xf32, #tpu.memory_space<hbm>>) dst(%dma_wait3A_1022 : memref<100x32xf32, #tpu.memory_space<vmem>>)
      %mul3A_1029 = arith.constant 8 : i32
      %mul3A_1030 = arith.muli %add3A_777, %mul3A_1029 : i32
      %add3A_1031 = arith.addi %mul3A_2, %mul3A_1030 : i32
      %dma_start3A_1032 = arith.constant 0 : i32
      %dma_start3A_1033 = arith.constant 0 : i32
      %dma_start3A_1034 = arith.constant 0 : i32
      %dma_start3A_1035 = arith.constant 0 : i32
      %dma_start3A_1036 = tpu.memref_slice %arg6[%dma_start3A_1032, %dma_start3A_1033, %dma_start3A_1034, %dma_start3A_1035] : memref<2x8x100x32xf32, #tpu.memory_space<vmem>> -> memref<1x8x100x32xf32, #tpu.memory_space<vmem>>
      %dma_start3A_1037 = tpu.memref_squeeze %dma_start3A_1036 : memref<1x8x100x32xf32, #tpu.memory_space<vmem>> -> memref<8x100x32xf32, #tpu.memory_space<vmem>>
      %dma_start3A_1038 = arith.constant 0 : i32
      %dma_start3A_1039 = arith.constant 0 : i32
      %dma_start3A_1040 = tpu.memref_slice %arg4[%add3A_1031, %dma_start3A_1038, %dma_start3A_1039] : memref<16384x100x32xf32, #tpu.memory_space<hbm>> -> memref<8x100x32xf32, #tpu.memory_space<hbm>>
      %dma_start3A_1041 = arith.constant 0 : i32
      %dma_start3A_1042 = arith.constant 0 : i32
      %dma_start3A_1043 = tpu.memref_slice %arg4[%add3A_1031, %dma_start3A_1041, %dma_start3A_1042] : memref<16384x100x32xf32, #tpu.memory_space<hbm>> -> memref<8x100x32xf32, #tpu.memory_space<hbm>>
      %dma_start3A_1044 = arith.constant 0 : i32
      %dma_start3A_1045 = arith.constant 0 : i32
      %dma_start3A_1046 = arith.constant 0 : i32
      %dma_start3A_1047 = tpu.memref_slice %arg6[%dma_start3A_1032, %dma_start3A_1044, %dma_start3A_1045, %dma_start3A_1046] : memref<2x8x100x32xf32, #tpu.memory_space<vmem>> -> memref<1x8x100x32xf32, #tpu.memory_space<vmem>>
      %dma_start3A_1048 = tpu.memref_squeeze %dma_start3A_1047 : memref<1x8x100x32xf32, #tpu.memory_space<vmem>> -> memref<8x100x32xf32, #tpu.memory_space<vmem>>
      tpu.enqueue_dma source(%dma_start3A_1048 : memref<8x100x32xf32, #tpu.memory_space<vmem>>) target(%dma_start3A_1043 : memref<8x100x32xf32, #tpu.memory_space<hbm>>) target_semaphore(%arg9 : memref<!tpu.dma_semaphore, #tpu.memory_space<semaphore_mem>>)
    }
    %scan3A_336 = arith.constant 31 : i32
    %dma_wait3A_337 = arith.constant 0 : i32
    %dma_wait3A_338 = arith.constant 1 : i32
    %dma_wait3A_339 = arith.constant 0 : i32
    %dma_wait3A_340 = arith.constant 0 : i32
    %dma_wait3A_341 = arith.constant 0 : i32
    %dma_wait3A_342 = tpu.memref_slice %arg6[%dma_wait3A_338, %dma_wait3A_339, %dma_wait3A_340, %dma_wait3A_341] : memref<2x8x100x32xf32, #tpu.memory_space<vmem>> -> memref<1x1x100x32xf32, #tpu.memory_space<vmem>>
    %dma_wait3A_343 = tpu.memref_squeeze %dma_wait3A_342 : memref<1x1x100x32xf32, #tpu.memory_space<vmem>> -> memref<100x32xf32, #tpu.memory_space<vmem>>
    %dma_wait3A_344 = arith.constant 0 : i32
    %dma_wait3A_345 = tpu.memref_slice %arg5[%dma_wait3A_337, %dma_wait3A_344] : memref<512x100xi32, #tpu.memory_space<vmem>> -> memref<1x100xi32, #tpu.memory_space<vmem>>
    %dma_wait3A_346 = tpu.memref_squeeze %dma_wait3A_345 : memref<1x100xi32, #tpu.memory_space<vmem>> -> memref<100xi32, #tpu.memory_space<vmem>>
    %dma_wait3A_347 = arith.constant 0 : i32
    %dma_wait3A_348 = arith.constant 0 : i32
    %dma_wait3A_349 = tpu.memref_slice %arg2[%dma_wait3A_347, %dma_wait3A_348] : memref<1000000x32xf32, #tpu.memory_space<hbm>> -> memref<1000000x32xf32, #tpu.memory_space<hbm>>
    tpu.wait_indirect_dma semaphore(%arg8 : memref<!tpu.dma_semaphore, #tpu.memory_space<semaphore_mem>>) src(%dma_wait3A_349 : memref<1000000x32xf32, #tpu.memory_space<hbm>>) dst(%dma_wait3A_343 : memref<100x32xf32, #tpu.memory_space<vmem>>)
    %dma_wait3A_350 = arith.constant 0 : i32
    %dma_wait3A_351 = arith.constant 1 : i32
    %dma_wait3A_352 = arith.constant 1 : i32
    %dma_wait3A_353 = arith.constant 0 : i32
    %dma_wait3A_354 = arith.constant 0 : i32
    %dma_wait3A_355 = tpu.memref_slice %arg6[%dma_wait3A_351, %dma_wait3A_352, %dma_wait3A_353, %dma_wait3A_354] : memref<2x8x100x32xf32, #tpu.memory_space<vmem>> -> memref<1x1x100x32xf32, #tpu.memory_space<vmem>>
    %dma_wait3A_356 = tpu.memref_squeeze %dma_wait3A_355 : memref<1x1x100x32xf32, #tpu.memory_space<vmem>> -> memref<100x32xf32, #tpu.memory_space<vmem>>
    %dma_wait3A_357 = arith.constant 0 : i32
    %dma_wait3A_358 = tpu.memref_slice %arg5[%dma_wait3A_350, %dma_wait3A_357] : memref<512x100xi32, #tpu.memory_space<vmem>> -> memref<1x100xi32, #tpu.memory_space<vmem>>
    %dma_wait3A_359 = tpu.memref_squeeze %dma_wait3A_358 : memref<1x100xi32, #tpu.memory_space<vmem>> -> memref<100xi32, #tpu.memory_space<vmem>>
    %dma_wait3A_360 = arith.constant 0 : i32
    %dma_wait3A_361 = arith.constant 0 : i32
    %dma_wait3A_362 = tpu.memref_slice %arg2[%dma_wait3A_360, %dma_wait3A_361] : memref<1000000x32xf32, #tpu.memory_space<hbm>> -> memref<1000000x32xf32, #tpu.memory_space<hbm>>
    tpu.wait_indirect_dma semaphore(%arg8 : memref<!tpu.dma_semaphore, #tpu.memory_space<semaphore_mem>>) src(%dma_wait3A_362 : memref<1000000x32xf32, #tpu.memory_space<hbm>>) dst(%dma_wait3A_356 : memref<100x32xf32, #tpu.memory_space<vmem>>)
    %dma_wait3A_363 = arith.constant 0 : i32
    %dma_wait3A_364 = arith.constant 1 : i32
    %dma_wait3A_365 = arith.constant 2 : i32
    %dma_wait3A_366 = arith.constant 0 : i32
    %dma_wait3A_367 = arith.constant 0 : i32
    %dma_wait3A_368 = tpu.memref_slice %arg6[%dma_wait3A_364, %dma_wait3A_365, %dma_wait3A_366, %dma_wait3A_367] : memref<2x8x100x32xf32, #tpu.memory_space<vmem>> -> memref<1x1x100x32xf32, #tpu.memory_space<vmem>>
    %dma_wait3A_369 = tpu.memref_squeeze %dma_wait3A_368 : memref<1x1x100x32xf32, #tpu.memory_space<vmem>> -> memref<100x32xf32, #tpu.memory_space<vmem>>
    %dma_wait3A_370 = arith.constant 0 : i32
    %dma_wait3A_371 = tpu.memref_slice %arg5[%dma_wait3A_363, %dma_wait3A_370] : memref<512x100xi32, #tpu.memory_space<vmem>> -> memref<1x100xi32, #tpu.memory_space<vmem>>
    %dma_wait3A_372 = tpu.memref_squeeze %dma_wait3A_371 : memref<1x100xi32, #tpu.memory_space<vmem>> -> memref<100xi32, #tpu.memory_space<vmem>>
    %dma_wait3A_373 = arith.constant 0 : i32
    %dma_wait3A_374 = arith.constant 0 : i32
    %dma_wait3A_375 = tpu.memref_slice %arg2[%dma_wait3A_373, %dma_wait3A_374] : memref<1000000x32xf32, #tpu.memory_space<hbm>> -> memref<1000000x32xf32, #tpu.memory_space<hbm>>
    tpu.wait_indirect_dma semaphore(%arg8 : memref<!tpu.dma_semaphore, #tpu.memory_space<semaphore_mem>>) src(%dma_wait3A_375 : memref<1000000x32xf32, #tpu.memory_space<hbm>>) dst(%dma_wait3A_369 : memref<100x32xf32, #tpu.memory_space<vmem>>)
    %dma_wait3A_376 = arith.constant 0 : i32
    %dma_wait3A_377 = arith.constant 1 : i32
    %dma_wait3A_378 = arith.constant 3 : i32
    %dma_wait3A_379 = arith.constant 0 : i32
    %dma_wait3A_380 = arith.constant 0 : i32
    %dma_wait3A_381 = tpu.memref_slice %arg6[%dma_wait3A_377, %dma_wait3A_378, %dma_wait3A_379, %dma_wait3A_380] : memref<2x8x100x32xf32, #tpu.memory_space<vmem>> -> memref<1x1x100x32xf32, #tpu.memory_space<vmem>>
    %dma_wait3A_382 = tpu.memref_squeeze %dma_wait3A_381 : memref<1x1x100x32xf32, #tpu.memory_space<vmem>> -> memref<100x32xf32, #tpu.memory_space<vmem>>
    %dma_wait3A_383 = arith.constant 0 : i32
    %dma_wait3A_384 = tpu.memref_slice %arg5[%dma_wait3A_376, %dma_wait3A_383] : memref<512x100xi32, #tpu.memory_space<vmem>> -> memref<1x100xi32, #tpu.memory_space<vmem>>
    %dma_wait3A_385 = tpu.memref_squeeze %dma_wait3A_384 : memref<1x100xi32, #tpu.memory_space<vmem>> -> memref<100xi32, #tpu.memory_space<vmem>>
    %dma_wait3A_386 = arith.constant 0 : i32
    %dma_wait3A_387 = arith.constant 0 : i32
    %dma_wait3A_388 = tpu.memref_slice %arg2[%dma_wait3A_386, %dma_wait3A_387] : memref<1000000x32xf32, #tpu.memory_space<hbm>> -> memref<1000000x32xf32, #tpu.memory_space<hbm>>
    tpu.wait_indirect_dma semaphore(%arg8 : memref<!tpu.dma_semaphore, #tpu.memory_space<semaphore_mem>>) src(%dma_wait3A_388 : memref<1000000x32xf32, #tpu.memory_space<hbm>>) dst(%dma_wait3A_382 : memref<100x32xf32, #tpu.memory_space<vmem>>)
    %dma_wait3A_389 = arith.constant 0 : i32
    %dma_wait3A_390 = arith.constant 1 : i32
    %dma_wait3A_391 = arith.constant 4 : i32
    %dma_wait3A_392 = arith.constant 0 : i32
    %dma_wait3A_393 = arith.constant 0 : i32
    %dma_wait3A_394 = tpu.memref_slice %arg6[%dma_wait3A_390, %dma_wait3A_391, %dma_wait3A_392, %dma_wait3A_393] : memref<2x8x100x32xf32, #tpu.memory_space<vmem>> -> memref<1x1x100x32xf32, #tpu.memory_space<vmem>>
    %dma_wait3A_395 = tpu.memref_squeeze %dma_wait3A_394 : memref<1x1x100x32xf32, #tpu.memory_space<vmem>> -> memref<100x32xf32, #tpu.memory_space<vmem>>
    %dma_wait3A_396 = arith.constant 0 : i32
    %dma_wait3A_397 = tpu.memref_slice %arg5[%dma_wait3A_389, %dma_wait3A_396] : memref<512x100xi32, #tpu.memory_space<vmem>> -> memref<1x100xi32, #tpu.memory_space<vmem>>
    %dma_wait3A_398 = tpu.memref_squeeze %dma_wait3A_397 : memref<1x100xi32, #tpu.memory_space<vmem>> -> memref<100xi32, #tpu.memory_space<vmem>>
    %dma_wait3A_399 = arith.constant 0 : i32
    %dma_wait3A_400 = arith.constant 0 : i32
    %dma_wait3A_401 = tpu.memref_slice %arg2[%dma_wait3A_399, %dma_wait3A_400] : memref<1000000x32xf32, #tpu.memory_space<hbm>> -> memref<1000000x32xf32, #tpu.memory_space<hbm>>
    tpu.wait_indirect_dma semaphore(%arg8 : memref<!tpu.dma_semaphore, #tpu.memory_space<semaphore_mem>>) src(%dma_wait3A_401 : memref<1000000x32xf32, #tpu.memory_space<hbm>>) dst(%dma_wait3A_395 : memref<100x32xf32, #tpu.memory_space<vmem>>)
    %dma_wait3A_402 = arith.constant 0 : i32
    %dma_wait3A_403 = arith.constant 1 : i32
    %dma_wait3A_404 = arith.constant 5 : i32
    %dma_wait3A_405 = arith.constant 0 : i32
    %dma_wait3A_406 = arith.constant 0 : i32
    %dma_wait3A_407 = tpu.memref_slice %arg6[%dma_wait3A_403, %dma_wait3A_404, %dma_wait3A_405, %dma_wait3A_406] : memref<2x8x100x32xf32, #tpu.memory_space<vmem>> -> memref<1x1x100x32xf32, #tpu.memory_space<vmem>>
    %dma_wait3A_408 = tpu.memref_squeeze %dma_wait3A_407 : memref<1x1x100x32xf32, #tpu.memory_space<vmem>> -> memref<100x32xf32, #tpu.memory_space<vmem>>
    %dma_wait3A_409 = arith.constant 0 : i32
    %dma_wait3A_410 = tpu.memref_slice %arg5[%dma_wait3A_402, %dma_wait3A_409] : memref<512x100xi32, #tpu.memory_space<vmem>> -> memref<1x100xi32, #tpu.memory_space<vmem>>
    %dma_wait3A_411 = tpu.memref_squeeze %dma_wait3A_410 : memref<1x100xi32, #tpu.memory_space<vmem>> -> memref<100xi32, #tpu.memory_space<vmem>>
    %dma_wait3A_412 = arith.constant 0 : i32
    %dma_wait3A_413 = arith.constant 0 : i32
    %dma_wait3A_414 = tpu.memref_slice %arg2[%dma_wait3A_412, %dma_wait3A_413] : memref<1000000x32xf32, #tpu.memory_space<hbm>> -> memref<1000000x32xf32, #tpu.memory_space<hbm>>
    tpu.wait_indirect_dma semaphore(%arg8 : memref<!tpu.dma_semaphore, #tpu.memory_space<semaphore_mem>>) src(%dma_wait3A_414 : memref<1000000x32xf32, #tpu.memory_space<hbm>>) dst(%dma_wait3A_408 : memref<100x32xf32, #tpu.memory_space<vmem>>)
    %dma_wait3A_415 = arith.constant 0 : i32
    %dma_wait3A_416 = arith.constant 1 : i32
    %dma_wait3A_417 = arith.constant 6 : i32
    %dma_wait3A_418 = arith.constant 0 : i32
    %dma_wait3A_419 = arith.constant 0 : i32
    %dma_wait3A_420 = tpu.memref_slice %arg6[%dma_wait3A_416, %dma_wait3A_417, %dma_wait3A_418, %dma_wait3A_419] : memref<2x8x100x32xf32, #tpu.memory_space<vmem>> -> memref<1x1x100x32xf32, #tpu.memory_space<vmem>>
    %dma_wait3A_421 = tpu.memref_squeeze %dma_wait3A_420 : memref<1x1x100x32xf32, #tpu.memory_space<vmem>> -> memref<100x32xf32, #tpu.memory_space<vmem>>
    %dma_wait3A_422 = arith.constant 0 : i32
    %dma_wait3A_423 = tpu.memref_slice %arg5[%dma_wait3A_415, %dma_wait3A_422] : memref<512x100xi32, #tpu.memory_space<vmem>> -> memref<1x100xi32, #tpu.memory_space<vmem>>
    %dma_wait3A_424 = tpu.memref_squeeze %dma_wait3A_423 : memref<1x100xi32, #tpu.memory_space<vmem>> -> memref<100xi32, #tpu.memory_space<vmem>>
    %dma_wait3A_425 = arith.constant 0 : i32
    %dma_wait3A_426 = arith.constant 0 : i32
    %dma_wait3A_427 = tpu.memref_slice %arg2[%dma_wait3A_425, %dma_wait3A_426] : memref<1000000x32xf32, #tpu.memory_space<hbm>> -> memref<1000000x32xf32, #tpu.memory_space<hbm>>
    tpu.wait_indirect_dma semaphore(%arg8 : memref<!tpu.dma_semaphore, #tpu.memory_space<semaphore_mem>>) src(%dma_wait3A_427 : memref<1000000x32xf32, #tpu.memory_space<hbm>>) dst(%dma_wait3A_421 : memref<100x32xf32, #tpu.memory_space<vmem>>)
    %dma_wait3A_428 = arith.constant 0 : i32
    %dma_wait3A_429 = arith.constant 1 : i32
    %dma_wait3A_430 = arith.constant 7 : i32
    %dma_wait3A_431 = arith.constant 0 : i32
    %dma_wait3A_432 = arith.constant 0 : i32
    %dma_wait3A_433 = tpu.memref_slice %arg6[%dma_wait3A_429, %dma_wait3A_430, %dma_wait3A_431, %dma_wait3A_432] : memref<2x8x100x32xf32, #tpu.memory_space<vmem>> -> memref<1x1x100x32xf32, #tpu.memory_space<vmem>>
    %dma_wait3A_434 = tpu.memref_squeeze %dma_wait3A_433 : memref<1x1x100x32xf32, #tpu.memory_space<vmem>> -> memref<100x32xf32, #tpu.memory_space<vmem>>
    %dma_wait3A_435 = arith.constant 0 : i32
    %dma_wait3A_436 = tpu.memref_slice %arg5[%dma_wait3A_428, %dma_wait3A_435] : memref<512x100xi32, #tpu.memory_space<vmem>> -> memref<1x100xi32, #tpu.memory_space<vmem>>
    %dma_wait3A_437 = tpu.memref_squeeze %dma_wait3A_436 : memref<1x100xi32, #tpu.memory_space<vmem>> -> memref<100xi32, #tpu.memory_space<vmem>>
    %dma_wait3A_438 = arith.constant 0 : i32
    %dma_wait3A_439 = arith.constant 0 : i32
    %dma_wait3A_440 = tpu.memref_slice %arg2[%dma_wait3A_438, %dma_wait3A_439] : memref<1000000x32xf32, #tpu.memory_space<hbm>> -> memref<1000000x32xf32, #tpu.memory_space<hbm>>
    tpu.wait_indirect_dma semaphore(%arg8 : memref<!tpu.dma_semaphore, #tpu.memory_space<semaphore_mem>>) src(%dma_wait3A_440 : memref<1000000x32xf32, #tpu.memory_space<hbm>>) dst(%dma_wait3A_434 : memref<100x32xf32, #tpu.memory_space<vmem>>)
    %add3A_441 = arith.constant 504 : i32
    %add3A_442 = arith.addi %mul3A_2, %add3A_441 : i32
    %dma_start3A_443 = arith.constant 1 : i32
    %dma_start3A_444 = arith.constant 0 : i32
    %dma_start3A_445 = arith.constant 0 : i32
    %dma_start3A_446 = arith.constant 0 : i32
    %dma_start3A_447 = tpu.memref_slice %arg6[%dma_start3A_443, %dma_start3A_444, %dma_start3A_445, %dma_start3A_446] : memref<2x8x100x32xf32, #tpu.memory_space<vmem>> -> memref<1x8x100x32xf32, #tpu.memory_space<vmem>>
    %dma_start3A_448 = tpu.memref_squeeze %dma_start3A_447 : memref<1x8x100x32xf32, #tpu.memory_space<vmem>> -> memref<8x100x32xf32, #tpu.memory_space<vmem>>
    %dma_start3A_449 = arith.constant 0 : i32
    %dma_start3A_450 = arith.constant 0 : i32
    %dma_start3A_451 = tpu.memref_slice %arg4[%add3A_442, %dma_start3A_449, %dma_start3A_450] : memref<16384x100x32xf32, #tpu.memory_space<hbm>> -> memref<8x100x32xf32, #tpu.memory_space<hbm>>
    %dma_start3A_452 = arith.constant 0 : i32
    %dma_start3A_453 = arith.constant 0 : i32
    %dma_start3A_454 = tpu.memref_slice %arg4[%add3A_442, %dma_start3A_452, %dma_start3A_453] : memref<16384x100x32xf32, #tpu.memory_space<hbm>> -> memref<8x100x32xf32, #tpu.memory_space<hbm>>
    %dma_start3A_455 = arith.constant 0 : i32
    %dma_start3A_456 = arith.constant 0 : i32
    %dma_start3A_457 = arith.constant 0 : i32
    %dma_start3A_458 = tpu.memref_slice %arg6[%dma_start3A_443, %dma_start3A_455, %dma_start3A_456, %dma_start3A_457] : memref<2x8x100x32xf32, #tpu.memory_space<vmem>> -> memref<1x8x100x32xf32, #tpu.memory_space<vmem>>
    %dma_start3A_459 = tpu.memref_squeeze %dma_start3A_458 : memref<1x8x100x32xf32, #tpu.memory_space<vmem>> -> memref<8x100x32xf32, #tpu.memory_space<vmem>>
    tpu.enqueue_dma source(%dma_start3A_459 : memref<8x100x32xf32, #tpu.memory_space<vmem>>) target(%dma_start3A_454 : memref<8x100x32xf32, #tpu.memory_space<hbm>>) target_semaphore(%arg10 : memref<!tpu.dma_semaphore, #tpu.memory_space<semaphore_mem>>)
    %dma_wait3A_460 = arith.constant 0 : i32
    %dma_wait3A_461 = arith.constant 0 : i32
    %dma_wait3A_462 = arith.constant 0 : i32
    %dma_wait3A_463 = arith.constant 0 : i32
    %dma_wait3A_464 = tpu.memref_slice %arg6[%dma_wait3A_460, %dma_wait3A_461, %dma_wait3A_462, %dma_wait3A_463] : memref<2x8x100x32xf32, #tpu.memory_space<vmem>> -> memref<1x8x100x32xf32, #tpu.memory_space<vmem>>
    %dma_wait3A_465 = tpu.memref_squeeze %dma_wait3A_464 : memref<1x8x100x32xf32, #tpu.memory_space<vmem>> -> memref<8x100x32xf32, #tpu.memory_space<vmem>>
    %dma_wait3A_466 = arith.constant 0 : i32
    %dma_wait3A_467 = arith.constant 0 : i32
    %dma_wait3A_468 = tpu.memref_slice %arg4[%mul3A_2, %dma_wait3A_466, %dma_wait3A_467] : memref<16384x100x32xf32, #tpu.memory_space<hbm>> -> memref<8x100x32xf32, #tpu.memory_space<hbm>>
    %dma_wait3A_469 = arith.constant 0 : i32
    %dma_wait3A_470 = arith.constant 0 : i32
    %dma_wait3A_471 = tpu.memref_slice %arg4[%mul3A_2, %dma_wait3A_469, %dma_wait3A_470] : memref<16384x100x32xf32, #tpu.memory_space<hbm>> -> memref<8x100x32xf32, #tpu.memory_space<hbm>>
    %dma_wait3A_472 = arith.constant 0 : i32
    %dma_wait3A_473 = arith.constant 0 : i32
    %dma_wait3A_474 = arith.constant 0 : i32
    %dma_wait3A_475 = tpu.memref_slice %arg6[%dma_wait3A_460, %dma_wait3A_472, %dma_wait3A_473, %dma_wait3A_474] : memref<2x8x100x32xf32, #tpu.memory_space<vmem>> -> memref<1x8x100x32xf32, #tpu.memory_space<vmem>>
    %dma_wait3A_476 = tpu.memref_squeeze %dma_wait3A_475 : memref<1x8x100x32xf32, #tpu.memory_space<vmem>> -> memref<8x100x32xf32, #tpu.memory_space<vmem>>
    tpu.wait_dma2 semaphore(%arg9 : memref<!tpu.dma_semaphore, #tpu.memory_space<semaphore_mem>>) src(%dma_wait3A_476 : memref<8x100x32xf32, #tpu.memory_space<vmem>>) dst(%dma_wait3A_471 : memref<8x100x32xf32, #tpu.memory_space<hbm>>)
    %dma_wait3A_477 = arith.constant 1 : i32
    %dma_wait3A_478 = arith.constant 0 : i32
    %dma_wait3A_479 = arith.constant 0 : i32
    %dma_wait3A_480 = arith.constant 0 : i32
    %dma_wait3A_481 = tpu.memref_slice %arg6[%dma_wait3A_477, %dma_wait3A_478, %dma_wait3A_479, %dma_wait3A_480] : memref<2x8x100x32xf32, #tpu.memory_space<vmem>> -> memref<1x8x100x32xf32, #tpu.memory_space<vmem>>
    %dma_wait3A_482 = tpu.memref_squeeze %dma_wait3A_481 : memref<1x8x100x32xf32, #tpu.memory_space<vmem>> -> memref<8x100x32xf32, #tpu.memory_space<vmem>>
    %dma_wait3A_483 = arith.constant 0 : i32
    %dma_wait3A_484 = arith.constant 0 : i32
    %dma_wait3A_485 = tpu.memref_slice %arg4[%mul3A_2, %dma_wait3A_483, %dma_wait3A_484] : memref<16384x100x32xf32, #tpu.memory_space<hbm>> -> memref<8x100x32xf32, #tpu.memory_space<hbm>>
    %dma_wait3A_486 = arith.constant 0 : i32
    %dma_wait3A_487 = arith.constant 0 : i32
    %dma_wait3A_488 = tpu.memref_slice %arg4[%mul3A_2, %dma_wait3A_486, %dma_wait3A_487] : memref<16384x100x32xf32, #tpu.memory_space<hbm>> -> memref<8x100x32xf32, #tpu.memory_space<hbm>>
    %dma_wait3A_489 = arith.constant 0 : i32
    %dma_wait3A_490 = arith.constant 0 : i32
    %dma_wait3A_491 = arith.constant 0 : i32
    %dma_wait3A_492 = tpu.memref_slice %arg6[%dma_wait3A_477, %dma_wait3A_489, %dma_wait3A_490, %dma_wait3A_491] : memref<2x8x100x32xf32, #tpu.memory_space<vmem>> -> memref<1x8x100x32xf32, #tpu.memory_space<vmem>>
    %dma_wait3A_493 = tpu.memref_squeeze %dma_wait3A_492 : memref<1x8x100x32xf32, #tpu.memory_space<vmem>> -> memref<8x100x32xf32, #tpu.memory_space<vmem>>
    tpu.wait_dma2 semaphore(%arg10 : memref<!tpu.dma_semaphore, #tpu.memory_space<semaphore_mem>>) src(%dma_wait3A_493 : memref<8x100x32xf32, #tpu.memory_space<vmem>>) dst(%dma_wait3A_488 : memref<8x100x32xf32, #tpu.memory_space<hbm>>)
    return
  }
}

</mosaic_0001>

<sc_bundles>
// kernel: kernel.3.cloned.1.call-start
scs
__scs_entry_jumppad:
0x0: {  	(pc) =	sbr.rel $0x88, $3  }
0x1: {  	(tag) =	ssettag $0x0;
	lr =	simm.s32 $0x1  }
0x2: {  	[smem:$0x3F9F] =	sst lr;
	_ =	strace $0xD0000000  }
0x3: {  	_ = 	snop  }
0x4: {  	_ = 	snop  }
0x5: {  	_ = 	snop  }
0x6: {  	_ = 	snop  }
0x7: {  	_ = 	snop  }
__scs_overlays_trampoline_lowered:
0x8: {  	[smem:$0x3FAE] =	sst s0  }
0x9: {  	[smem:$0x3FAF] =	sst s1  }
0xa: {  	[smem:$0x3FB0] =	sst s2  }
0xb: {  	[smem:$0x3FB1] =	sst s3  }
0xc: {  	[smem:$0x3FB2] =	sst s4  }
0xd: {  	[smem:$0x3FB3] =	sst s5  }
0xe: {  	[smem:$0x3FB4] =	sst s6  }
0xf: {  	[smem:$0x3FB5] =	sst s7  }
0x10: {  	[smem:$0x3FB6] =	sst s8  }
0x11: {  	[smem:$0x3FB7] =	sst s9;
	s0 =	simm.s32 @!p0 $0x0  }
0x12: {  	s1 =	sld [smem:$0x3F9D];
	s0 =	simm.s32 @p0 $0x1  }
0x13: {  	[smem:$0x3FB8] =	sst s0;
	s0 =	simm.s32 @!p1 $0x0  }
0x14: {  	s2 =	sld [smem:$0x3F9C];
	s0 =	simm.s32 @p1 $0x1  }
0x15: {  	[smem:$0x3FB9] =	sst s0;
	s0 =	simm.s32 @!p2 $0x0  }
0x16: {  	s3 =	sld [smem:$0x3FDB];
	s0 =	simm.s32 @p2 $0x1  }
0x17: {  	s4 =	simm.s32 $0x1BF5;
	[smem:$0x3FBB] =	sst s0  }
0x18: {  	s0 =	sld [smem:$0x3F9E];
	_ =	swait.ge [sflag:s4], $0x0  }
0x19: {  	s7 =	sld [smem:$0x3F9F]  }
0x1a: {  	s8 =	sadd.s32 $0xFFFFE003, lr  }
0x1b: {  	s9 =	sadd.s32 $0xFFFFFEF7, lr;
	s5 =	simm.s32 $0xFFFFFFFF;
	p2 =	slt.u32 s8, $0xFFFFF086  }
0x1c: {  	p1 =	slt.u32 s9, $0xF7A;
	s5 =	simm.s32 @!p2 $0x0  }
0x1d: {  	s5 =	simm.s32 @p1 $0x1;
	p0 =	seq.s32 s7, s2  }
0x1e: {  	s7 =	smul.u32 @!p0 $0xF7A, s2;
	p2 =	seq.s32 @!p0 s5, $0x0  }
0x1f: {  	s9 =	smul.u32 $0xF7A, s1;
	s8 =	simm.s32 @!p0 $0x1BF5;
	p2 =	por !p2, p0  }
0x20: {  	[sflag:s8] =	ssyncset.s32 @!p0 $0xFFFFF086;
	s6 =	sadd.s32 @!p0 s3, s7;
	s7 =	simm.s32 @!p0 $0x108  }
0x21: {  	s3 =	sadd.s32 s3, s9;
	s6 =	sadd.s32 @!p0 $0x88, s6;
	s7 =	simm.s32 @p2 $0x1082  }
0x22: {  	[simem:s7], [sflag:s8] =	dma.local @!p0 [hbm:s6], $0xF7A  }
0x23: {  	s9 =	sor.u32 $0xD0000000, s2;
	s6 =	simm.s32 $0x108;
	_ =	swait.ge @!p0 [sflag:s8], $0x0  }
0x24: {  	s3 =	sadd.s32 $0x88, s3;
	s6 =	simm.s32 @!p1 $0x1082;
	[sflag:s4] =	ssyncset.s32 $0xFFFFF086  }
0x25: {  	[simem:s6], [sflag:s4] =	dma.local [hbm:s3], $0xF7A  }
0x26: {  	[smem:$0x3F9F] =	sst s1;
	(tag) =	ssettag s2;
	_ =	strace s9  }
0x27: {  	s1 =	sld [smem:$0x3FAF]  }
0x28: {  	s2 =	sld [smem:$0x3FB0]  }
0x29: {  	s4 =	sld [smem:$0x3FB2]  }
0x2a: {  	p0 =	seq.s32 s5, $0x0;
	s5 =	sld [smem:$0x3FB3]  }
0x2b: {  	s6 =	sld [smem:$0x3FB4]  }
0x2c: {  	s7 =	sld [smem:$0x3FB5]  }
0x2d: {  	s3 =	simm.s32 $0x108;
	s8 =	sld [smem:$0x3FB6]  }
0x2e: {  	s3 =	simm.s32 @!p0 $0x1082;
	s9 =	sld [smem:$0x3FB7]  }
0x2f: {  	lr =	sadd.s32 s0, s3;
	s0 =	sld [smem:$0x3FAE]  }
0x30: {  	s3 =	sld [smem:$0x3FB1]  }
0x31: {  	[smem:$0x3FBA] =	sst s10  }
0x32: {  	s10 =	sld [smem:$0x3FB8];
	_ =	sdelay $0x3  }
0x33: {  	p0 =	seq.s32 s10, $0x1;
	s10 =	sld [smem:$0x3FBA];
	_ =	sdelay $0x3  }
0x34: {  	[smem:$0x3FBA] =	sst s10  }
0x35: {  	s10 =	sld [smem:$0x3FB9];
	_ =	sdelay $0x3  }
0x36: {  	p1 =	seq.s32 s10, $0x1;
	s10 =	sld [smem:$0x3FBA];
	_ =	sdelay $0x3  }
0x37: {  	[smem:$0x3FBA] =	sst s10  }
0x38: {  	s10 =	sld [smem:$0x3FBB]  }
0x39: {  	_ = 	snop;
	(pc) =	sbr.ind lr, $3  }
0x3a: {  	_ = 	snop  }
0x3b: {  	_ = 	snop  }
0x3c: {  	p2 =	seq.s32 s10, $0x1;
	s10 =	sld [smem:$0x3FBA]  }
0x3d: {  	_ =	shalt  }
0x3e: {  	_ =	shalt  }
0x3f: {  	_ =	shalt  }
0x40: {  	_ =	shalt  }
0x41: {  	_ =	shalt  }
0x42: {  	_ =	shalt  }
0x43: {  	_ =	shalt  }
0x44: {  	_ =	shalt  }
0x45: {  	_ =	shalt  }
0x46: {  	_ =	shalt  }
0x47: {  	_ =	shalt  }
0x48: {  	_ =	shalt  }
0x49: {  	_ =	shalt  }
0x4a: {  	_ =	shalt  }
0x4b: {  	_ =	shalt  }
0x4c: {  	_ =	shalt  }
0x4d: {  	_ =	shalt  }
0x4e: {  	_ =	shalt  }
0x4f: {  	_ =	shalt  }
0x50: {  	_ =	shalt  }
0x51: {  	_ =	shalt  }
0x52: {  	_ =	shalt  }
0x53: {  	_ =	shalt  }
0x54: {  	_ =	shalt  }
0x55: {  	_ =	shalt  }
0x56: {  	_ =	shalt  }
0x57: {  	_ =	shalt  }
0x58: {  	_ =	shalt  }
0x59: {  	_ =	shalt  }
0x5a: {  	_ =	shalt  }
0x5b: {  	_ =	shalt  }
0x5c: {  	_ =	shalt  }
0x5d: {  	_ =	shalt  }
0x5e: {  	_ =	shalt  }
0x5f: {  	_ =	shalt  }
0x60: {  	_ =	shalt  }
0x61: {  	_ =	shalt  }
0x62: {  	_ =	shalt  }
0x63: {  	_ =	shalt  }
0x64: {  	_ =	shalt  }
0x65: {  	_ =	shalt  }
0x66: {  	_ =	shalt  }
0x67: {  	_ =	shalt  }
0x68: {  	_ =	shalt  }
0x69: {  	_ =	shalt  }
0x6a: {  	_ =	shalt  }
0x6b: {  	_ =	shalt  }
0x6c: {  	_ =	shalt  }
0x6d: {  	_ =	shalt  }
0x6e: {  	_ =	shalt  }
0x6f: {  	_ =	shalt  }
0x70: {  	_ =	shalt  }
0x71: {  	_ =	shalt  }
0x72: {  	_ =	shalt  }
0x73: {  	_ =	shalt  }
0x74: {  	_ =	shalt  }
0x75: {  	_ =	shalt  }
0x76: {  	_ =	shalt  }
0x77: {  	_ =	shalt  }
0x78: {  	_ =	shalt  }
0x79: {  	_ =	shalt  }
0x7a: {  	_ =	shalt  }
0x7b: {  	_ =	shalt  }
0x7c: {  	_ =	shalt  }
0x7d: {  	_ =	shalt  }
0x7e: {  	_ =	shalt  }
0x7f: {  	_ =	shalt  }
0x80: {  	_ =	shalt  }
0x81: {  	_ =	shalt  }
0x82: {  	_ =	shalt  }
0x83: {  	_ =	shalt  }
0x84: {  	_ =	shalt  }
0x85: {  	_ =	shalt  }
0x86: {  	_ =	shalt  }
0x87: {  	_ =	shalt  }
.Lfunc_end0:
.L_simem_size_0:
called_computation.1_lowered:
.L_overlay_start_0:
0x88: {  	s2 =	sld [smem:$0x3FD9]  }
0x89: {  	s3 =	sld [smem:$0x3FFE];
	_ =	sdelay $0x1  }
0x8a: {  	s1 =	srdreg.scid  }
0x8b: {  	s0 =	sand.u32 $0x1, s1  }
0x8c: {  	s17 =	sshll.u32 s0, $0xA;
	s2 =	sadd.s32 s3, s2  }
0x8d: {  	s2 =	sadd.s32 s2, s17  }
0x8e: {  	[smem:$0x3FC6] =	sst s2  }
0x8f: {  	_ = 	snop  }
0x90: {  	s2 =	sld [smem:$0x3FD0];
	(tm) =	ssettm $0x1  }
0x91: {  	s18 =	sld [smem:$0x3FFB];
	_ =	sdelay $0x3  }
0x92: {  	_ =	strace s18  }
0x93: {  	s3 =	sld [smem:$0x3FFC];
	_ =	sdelay $0x3  }
0x94: {  	_ =	strace s3  }
0x95: {  	s3 =	sld [smem:$0x3FFD];
	_ =	sdelay $0x3  }
0x96: {  	_ =	strace s3  }
0x97: {  	_ =	strace $0x8FFFFFFF  }
0x98: {  	s19 =	sld [smem:$0x3FDB];
	_ =	sdelay $0x1  }
0x99: {  	s4 =	simm.s32 $_scs_section_size  }
0x9a: {  	s5 =	simm.s32 $_size__tile_overlayer_lowered;
	s6 =	simm.s32 $_tile_overlayer_lowered  }
0x9b: {  	s22 =	simm.s32 $0x1BFF;
	s21 =	sshll.u32 s6, $0x1;
	s3 =	sadd.s32 s4, s19  }
0x9c: {  	s7 =	simm.s32 $0x0;
	s20 =	sshll.u32 s5, $0x1;
	s5 =	sadd.s32 s21, s3  }
0x9d: {  	[timem:s7], [sflag:s22] =	dma.local [hbm:s5], s20  }
0x9e: {  	_ =	swait.ge [sflag:s22], s20  }
0x9f: {  	s4 =	ssub.s32 $0x0, s20;
	[sflag:s22] =	ssyncset.done $0x0  }
0xa0: {  	[sflag:s22] =	ssyncadd.s32 s4;
	_ =	sdelay $0x1  }
0xa1: {  	s23 =	simm.s32 $0x1B8B  }
0xa2: {  	_ =	swait.ge [sflag:s23], $0x1  }
0xa3: {  	[sflag:s23] =	ssyncset.done $0x0  }
0xa4: {  	s25 =	simm.s32 $0x1B8E;
	s24 =	sld [smem:$0x3FFE];
	[sflag:s23] =	ssyncadd.s32 $0xFFFFFFFF  }
0xa5: {  	s26 =	simm.s32 $execute0_lowered;
	[smem:$0x3FD2] =	sst s25  }
0xa6: {  	s5 =	sshll.u32 s26, $0x1;
	_ =	strace $0x80000046;
	[dreg:$0x1] =	wrdreg $0xFFFFFFFF  }
0xa7: {  	s28 =	simm.s32 $_size_execute0_lowered;
	s3 =	sadd.s32 s3, s5;
	[dreg:$0x0] =	wrdreg $0x0  }
0xa8: {  	s5 =	sshll.u32 s28, $0x1;
	[dreg:$0x2] =	wrdreg s3  }
0xa9: {  	[dreg:$0x3] =	wrdreg s5  }
0xaa: {  	[dreg:$0x4] =	wrdreg $0xC0  }
0xab: {  	_ =	task [dreg:s7], $0x5FFFF  }
0xac: {  	[dreg:$0x1] =	wrdreg $0xFFFFFFFF  }
0xad: {  	[dreg:$0x0] =	wrdreg $0x60  }
0xae: {  	[dreg:$0x2] =	wrdreg s24  }
0xaf: {  	[dreg:$0x3] =	wrdreg s2  }
0xb0: {  	[dreg:$0x4] =	wrdreg $0x9  }
0xb1: {  	_ =	task.clear_ibuf [dreg:s7], $0x5FFFF;
	_ =	strace $0x90000046  }
0xb2: {  	s29 =	simm.s32 $0x9;
	_ =	strace $0x80000048  }
0xb3: {  	_ =	swait.ge [sflag:s29], $0x1  }
0xb4: {  	[sflag:s29] =	ssyncadd.s32 $0xFFFFFFFF  }
0xb5: {  	_ =	strace $0x90000048  }
0xb6: {  	_ =	sfence  }
0xb7: {  	s30 =	sld [smem:$0x0];
	_ =	sdelay $0x2  }
0xb8: {  	s31 =	sshll.u32 s1, $0xD;
	s1 =	sshrl.u32 s1, $0x2  }
0xb9: {  	s3 =	sand.u32 $0x4000, s31;
	s1 =	sadd.s32 s1, s30  }
0xba: {  	s0 =	sor.u32 s3, s0;
	s1 =	sshll.u32 s1, $0x11  }
0xbb: {  	s0 =	sor.u32 s1, s0  }
0xbc: {  	s0 =	sadd.s32 $0x8F2B, s0  }
0xbd: {  	[sflag:s0] =	ssyncadd.remote.s32 $0x1  }
0xbe: {  	_ =	sfence.sel $0xFFFF  }
0xbf: {  	[dreg:$0x0] =	wrdreg $0xFFFFFFFF;
	(pc) =	sbr.abs _section_cstart, $3  }
0xc0: {  	[dreg:$0x1] =	wrdreg $0xFFFFFFFF  }
0xc1: {  	_ =	task.clear_ibuf [dreg:s7], $0x2FFFF;
	_ =	strace $0x9FFFFFFF  }
0xc2: {  	(tm) =	ssettm $0x7FFFFFFF  }
0xc3: {  	_ =	shalt  }
tec
execute0_lowered:
.L_overlay_start_1:
0x0: {  	(tag) =	ssettag $0x1  }
0x1: {  	s0 =	srdreg.scid;
	s1 =	rddreg [dreg:$0x0]  }
0x2: {  	s10 =	stileid.u32;
	s4 =	rddreg [dreg:$0x1];
	s2 =	simm.s32 $0x0  }
0x3: {  	s11 =	simm.s32 $0xD000;
	s13 =	simm.s32 $0xDC80;
	s15 =	simm.s32 $0xE900  }
0x4: {  	s17 =	simm.s32 $0xF580;
	s19 =	simm.s32 $0x10200;
	s21 =	simm.s32 $0x10E80  }
0x5: {  	s23 =	simm.s32 $0x11B00;
	s28 =	simm.s32 $0x13400;
	s30 =	simm.s32 $0x14080  }
0x6: {  	s12 =	simm.s32 $0x15980;
	s16 =	simm.s32 $0x16600;
	s20 =	simm.s32 $0x17280  }
0x7: {  	s29 =	simm.s32 $0x18B80;
	s31 =	simm.s32 $0x1;
	s14 =	simm.s32 $0x2  }
0x8: {  	s18 =	simm.s32 $0x4;
	s22 =	simm.s32 $0x0;
	s0 =	sand.u32 $0x1, s0  }
0x9: {  	s3 =	sshll.u32 s10, $0xA;
	s24 =	smul.u32 $0x64000, s10;
	s5 =	sshll.u32 s0, $0x9  }
0xa: {  	s7 =	ssub.s32 $0x2, s0;
	s0 =	smul.u32 $0x32000, s0;
	s5 =	sor.u32 s5, s3  }
0xb: {  	[smem:$0x7FF] =	sst s2;
	s10 =	simm.s32 $0x64;
	s6 =	smul.u32 $0xD, s5  }
0xc: {  	_ =	strace $0x80000047;
	s9 =	sshrl.u32 s7, $0x1;
	s8 =	smul.u32 $0x190, s5  }
0xd: {  	s3 =	sadd.s32 $0xF76C00, s1;
	s5 =	smul.u32 $0xC80, s5;
	s7 =	ssub.s32 s7, s9  }
0xe: {  	s9 =	simm.s32 $0x5;
	s1 =	sadd.s32 s6, s1;
	s26 =	sadd.s32 s4, s8  }
0xf: {  	s25 =	sshrl.u32 s5, $0x3;
	s1 =	sadd.s32 $0x800, s1;
	[dreg:$0x4] =	wrdreg s26  }
0x10: {  	s7 =	smax.u32 s7, $0x1;
	[dreg:$0x3] =	wrdreg s1;
	s1 =	sadd.s32 s4, s25  }
0x11: {  	s4 =	sadd.s32 s24, s4;
	s25 =	simm.s32 $0x12780;
	s1 =	sadd.s32 $0x31380, s1  }
0x12: {  	s24 =	simm.s32 $0x17F00;
	s0 =	sadd.s32 s0, s4;
	[dreg:$0x5] =	wrdreg s1  }
0x13: {  	s8 =	sadd.s32 $0xC80, s0;
	s1 =	simm.s32 $0x14D00;
	s0 =	simm.s32 $0x3  }
.LBB2_1:
0x14: {  	s4 =	rddreg [dreg:$0x3]  }
0x15: {  	[tilespmem:s2], [sflag:$0x5] =	stream.linear.gather [hbm4b:s4+s2], $0xD000, $0x38;
	[tilespmem:$0x19800] =	vst v63  }
0x16: {  	_ =	swait.ge [sflag:s9], $0xD000  }
0x17: {  	[sflag:s9] =	ssyncset.done $0x0  }
0x18: {  	[sflag:s9] =	ssyncadd.s32 $0xFFFF3000  }
0x19: {  	[tilespmem:s11], [sflag:$0x1] =	stream.indirect.gather [hbm4b:s3+s10], $0x20, s2, s10, $0xb8;
	[tilespmem:$0x19800] =	vst v63  }
0x1a: {  	s6 =	simm.s32 $0x68  }
0x1b: {  	[tilespmem:s13], [sflag:$0x1] =	stream.indirect.gather [hbm4b:s3+s10], $0x20, s6, s10, $0xb8;
	[tilespmem:$0x19800] =	vst v63  }
0x1c: {  	s26 =	simm.s32 $0xD0  }
0x1d: {  	[tilespmem:s15], [sflag:$0x1] =	stream.indirect.gather [hbm4b:s3+s10], $0x20, s26, s10, $0xb8;
	[tilespmem:$0x19800] =	vst v63  }
0x1e: {  	s5 =	simm.s32 $0x138  }
0x1f: {  	[tilespmem:s17], [sflag:$0x1] =	stream.indirect.gather [hbm4b:s3+s10], $0x20, s5, s10, $0xb8;
	[tilespmem:$0x19800] =	vst v63  }
0x20: {  	s6 =	simm.s32 $0x1A0  }
0x21: {  	[tilespmem:s19], [sflag:$0x1] =	stream.indirect.gather [hbm4b:s3+s10], $0x20, s6, s10, $0xb8;
	[tilespmem:$0x19800] =	vst v63  }
0x22: {  	s26 =	simm.s32 $0x208  }
0x23: {  	[tilespmem:s21], [sflag:$0x1] =	stream.indirect.gather [hbm4b:s3+s10], $0x20, s26, s10, $0xb8;
	[tilespmem:$0x19800] =	vst v63  }
0x24: {  	s5 =	simm.s32 $0x270  }
0x25: {  	[tilespmem:s23], [sflag:$0x1] =	stream.indirect.gather [hbm4b:s3+s10], $0x20, s5, s10, $0xb8;
	[tilespmem:$0x19800] =	vst v63  }
0x26: {  	s6 =	simm.s32 $0x2D8  }
0x27: {  	[tilespmem:s25], [sflag:$0x1] =	stream.indirect.gather [hbm4b:s3+s10], $0x20, s6, s10, $0xb8;
	[tilespmem:$0x19800] =	vst v63  }
0x28: {  	s26 =	simm.s32 $0x340  }
0x29: {  	[tilespmem:s28], [sflag:$0x2] =	stream.indirect.gather [hbm4b:s3+s10], $0x20, s26, s10, $0xb8;
	[tilespmem:$0x19800] =	vst v63  }
0x2a: {  	s5 =	simm.s32 $0x3A8  }
0x2b: {  	[tilespmem:s30], [sflag:$0x2] =	stream.indirect.gather [hbm4b:s3+s10], $0x20, s5, s10, $0xb8;
	[tilespmem:$0x19800] =	vst v63  }
0x2c: {  	s6 =	simm.s32 $0x410  }
0x2d: {  	[tilespmem:s1], [sflag:$0x2] =	stream.indirect.gather [hbm4b:s3+s10], $0x20, s6, s10, $0xb8;
	[tilespmem:$0x19800] =	vst v63  }
0x2e: {  	s26 =	simm.s32 $0x478  }
0x2f: {  	[tilespmem:s12], [sflag:$0x2] =	stream.indirect.gather [hbm4b:s3+s10], $0x20, s26, s10, $0xb8;
	[tilespmem:$0x19800] =	vst v63  }
0x30: {  	s5 =	simm.s32 $0x4E0  }
0x31: {  	[tilespmem:s16], [sflag:$0x2] =	stream.indirect.gather [hbm4b:s3+s10], $0x20, s5, s10, $0xb8;
	[tilespmem:$0x19800] =	vst v63  }
0x32: {  	s6 =	simm.s32 $0x548  }
0x33: {  	[tilespmem:s20], [sflag:$0x2] =	stream.indirect.gather [hbm4b:s3+s10], $0x20, s6, s10, $0xb8;
	[tilespmem:$0x19800] =	vst v63  }
0x34: {  	s26 =	simm.s32 $0x5B0  }
0x35: {  	[tilespmem:s24], [sflag:$0x2] =	stream.indirect.gather [hbm4b:s3+s10], $0x20, s26, s10, $0xb8;
	[tilespmem:$0x19800] =	vst v63  }
0x36: {  	s5 =	simm.s32 $0x618  }
0x37: {  	[tilespmem:s29], [sflag:$0x2] =	stream.indirect.gather [hbm4b:s3+s10], $0x20, s5, s10, $0xb8;
	[tilespmem:$0x19800] =	vst v63  }
0x38: {  	_ =	swait.ge [sflag:s31], $0xC80  }
0x39: {  	[sflag:s31] =	ssyncset.done $0x0  }
0x3a: {  	[sflag:s31] =	ssyncadd.s32 $0xFFFFF380  }
0x3b: {  	_ =	swait.ge [sflag:s31], $0xC80  }
0x3c: {  	[sflag:s31] =	ssyncset.done $0x0  }
0x3d: {  	[sflag:s31] =	ssyncadd.s32 $0xFFFFF380  }
0x3e: {  	_ =	swait.ge [sflag:s31], $0xC80  }
0x3f: {  	[sflag:s31] =	ssyncset.done $0x0  }
0x40: {  	[sflag:s31] =	ssyncadd.s32 $0xFFFFF380  }
0x41: {  	_ =	swait.ge [sflag:s31], $0xC80  }
0x42: {  	[sflag:s31] =	ssyncset.done $0x0  }
0x43: {  	[sflag:s31] =	ssyncadd.s32 $0xFFFFF380  }
0x44: {  	_ =	swait.ge [sflag:s31], $0xC80  }
0x45: {  	[sflag:s31] =	ssyncset.done $0x0  }
0x46: {  	[sflag:s31] =	ssyncadd.s32 $0xFFFFF380  }
0x47: {  	_ =	swait.ge [sflag:s31], $0xC80  }
0x48: {  	[sflag:s31] =	ssyncset.done $0x0  }
0x49: {  	[sflag:s31] =	ssyncadd.s32 $0xFFFFF380  }
0x4a: {  	_ =	swait.ge [sflag:s31], $0xC80  }
0x4b: {  	[sflag:s31] =	ssyncset.done $0x0  }
0x4c: {  	[sflag:s31] =	ssyncadd.s32 $0xFFFFF380  }
0x4d: {  	_ =	swait.ge [sflag:s31], $0xC80  }
0x4e: {  	[sflag:s31] =	ssyncset.done $0x0  }
0x4f: {  	s6 =	rddreg [dreg:$0x4];
	[sflag:s31] =	ssyncadd.s32 $0xFFFFF380  }
0x50: {  	[hbm4b:s6+s2] =	stream.linear.scatter [tilespmem:s11], [sflag:$0x3], $0x6400, $0x38;
	[tilespmem:$0x19800] =	vst v63  }
0x51: {  	_ =	swait.ge [sflag:s0], $0x6400  }
0x52: {  	[sflag:s0] =	ssyncset.done $0x0  }
0x53: {  	s26 =	simm.s32 $0x680;
	[sflag:s0] =	ssyncadd.s32 $0xFFFF9C00  }
0x54: {  	[tilespmem:s11], [sflag:$0x1] =	stream.indirect.gather [hbm4b:s3+s10], $0x20, s26, s10, $0xb8;
	[tilespmem:$0x19800] =	vst v63  }
0x55: {  	s5 =	simm.s32 $0x6E8  }
0x56: {  	[tilespmem:s13], [sflag:$0x1] =	stream.indirect.gather [hbm4b:s3+s10], $0x20, s5, s10, $0xb8;
	[tilespmem:$0x19800] =	vst v63  }
0x57: {  	s6 =	simm.s32 $0x750  }
0x58: {  	[tilespmem:s15], [sflag:$0x1] =	stream.indirect.gather [hbm4b:s3+s10], $0x20, s6, s10, $0xb8;
	[tilespmem:$0x19800] =	vst v63  }
0x59: {  	s26 =	simm.s32 $0x7B8  }
0x5a: {  	[tilespmem:s17], [sflag:$0x1] =	stream.indirect.gather [hbm4b:s3+s10], $0x20, s26, s10, $0xb8;
	[tilespmem:$0x19800] =	vst v63  }
0x5b: {  	s5 =	simm.s32 $0x820  }
0x5c: {  	[tilespmem:s19], [sflag:$0x1] =	stream.indirect.gather [hbm4b:s3+s10], $0x20, s5, s10, $0xb8;
	[tilespmem:$0x19800] =	vst v63  }
0x5d: {  	s6 =	simm.s32 $0x888  }
0x5e: {  	[tilespmem:s21], [sflag:$0x1] =	stream.indirect.gather [hbm4b:s3+s10], $0x20, s6, s10, $0xb8;
	[tilespmem:$0x19800] =	vst v63  }
0x5f: {  	s26 =	simm.s32 $0x8F0  }
0x60: {  	[tilespmem:s23], [sflag:$0x1] =	stream.indirect.gather [hbm4b:s3+s10], $0x20, s26, s10, $0xb8;
	[tilespmem:$0x19800] =	vst v63  }
0x61: {  	s5 =	simm.s32 $0x958  }
0x62: {  	[tilespmem:s25], [sflag:$0x1] =	stream.indirect.gather [hbm4b:s3+s10], $0x20, s5, s10, $0xb8;
	[tilespmem:$0x19800] =	vst v63  }
0x63: {  	_ =	swait.ge [sflag:s14], $0xC80  }
0x64: {  	[sflag:s14] =	ssyncset.done $0x0  }
0x65: {  	[sflag:s14] =	ssyncadd.s32 $0xFFFFF380  }
0x66: {  	_ =	swait.ge [sflag:s14], $0xC80  }
0x67: {  	[sflag:s14] =	ssyncset.done $0x0  }
0x68: {  	[sflag:s14] =	ssyncadd.s32 $0xFFFFF380  }
0x69: {  	_ =	swait.ge [sflag:s14], $0xC80  }
0x6a: {  	[sflag:s14] =	ssyncset.done $0x0  }
0x6b: {  	[sflag:s14] =	ssyncadd.s32 $0xFFFFF380  }
0x6c: {  	_ =	swait.ge [sflag:s14], $0xC80  }
0x6d: {  	[sflag:s14] =	ssyncset.done $0x0  }
0x6e: {  	[sflag:s14] =	ssyncadd.s32 $0xFFFFF380  }
0x6f: {  	_ =	swait.ge [sflag:s14], $0xC80  }
0x70: {  	[sflag:s14] =	ssyncset.done $0x0  }
0x71: {  	[sflag:s14] =	ssyncadd.s32 $0xFFFFF380  }
0x72: {  	_ =	swait.ge [sflag:s14], $0xC80  }
0x73: {  	[sflag:s14] =	ssyncset.done $0x0  }
0x74: {  	[sflag:s14] =	ssyncadd.s32 $0xFFFFF380  }
0x75: {  	_ =	swait.ge [sflag:s14], $0xC80  }
0x76: {  	[sflag:s14] =	ssyncset.done $0x0  }
0x77: {  	[sflag:s14] =	ssyncadd.s32 $0xFFFFF380  }
0x78: {  	_ =	swait.ge [sflag:s14], $0xC80  }
0x79: {  	[sflag:s14] =	ssyncset.done $0x0  }
0x7a: {  	[sflag:s14] =	ssyncadd.s32 $0xFFFFF380  }
0x7b: {  	[hbm4b:s8+s2] =	stream.linear.scatter [tilespmem:s28], [sflag:$0x4], $0x6400, $0x38;
	[tilespmem:$0x19800] =	vst v63  }
0x7c: {  	_ =	swait.ge [sflag:s18], $0x6400  }
0x7d: {  	[sflag:s18] =	ssyncset.done $0x0  }
0x7e: {  	s6 =	simm.s32 $0x9C0;
	[sflag:s18] =	ssyncadd.s32 $0xFFFF9C00  }
0x7f: {  	[tilespmem:s28], [sflag:$0x2] =	stream.indirect.gather [hbm4b:s3+s10], $0x20, s6, s10, $0xb8;
	[tilespmem:$0x19800] =	vst v63  }
0x80: {  	s26 =	simm.s32 $0xA28  }
0x81: {  	[tilespmem:s30], [sflag:$0x2] =	stream.indirect.gather [hbm4b:s3+s10], $0x20, s26, s10, $0xb8;
	[tilespmem:$0x19800] =	vst v63  }
0x82: {  	s5 =	simm.s32 $0xA90  }
0x83: {  	[tilespmem:s1], [sflag:$0x2] =	stream.indirect.gather [hbm4b:s3+s10], $0x20, s5, s10, $0xb8;
	[tilespmem:$0x19800] =	vst v63  }
0x84: {  	s6 =	simm.s32 $0xAF8  }
0x85: {  	[tilespmem:s12], [sflag:$0x2] =	stream.indirect.gather [hbm4b:s3+s10], $0x20, s6, s10, $0xb8;
	[tilespmem:$0x19800] =	vst v63  }
0x86: {  	s26 =	simm.s32 $0xB60  }
0x87: {  	[tilespmem:s16], [sflag:$0x2] =	stream.indirect.gather [hbm4b:s3+s10], $0x20, s26, s10, $0xb8;
	[tilespmem:$0x19800] =	vst v63  }
0x88: {  	s5 =	simm.s32 $0xBC8  }
0x89: {  	[tilespmem:s20], [sflag:$0x2] =	stream.indirect.gather [hbm4b:s3+s10], $0x20, s5, s10, $0xb8;
	[tilespmem:$0x19800] =	vst v63  }
0x8a: {  	s6 =	simm.s32 $0xC30  }
0x8b: {  	[tilespmem:s24], [sflag:$0x2] =	stream.indirect.gather [hbm4b:s3+s10], $0x20, s6, s10, $0xb8;
	[tilespmem:$0x19800] =	vst v63  }
0x8c: {  	s26 =	simm.s32 $0xC98  }
0x8d: {  	[tilespmem:s29], [sflag:$0x2] =	stream.indirect.gather [hbm4b:s3+s10], $0x20, s26, s10, $0xb8;
	[tilespmem:$0x19800] =	vst v63  }
0x8e: {  	_ =	swait.ge [sflag:s31], $0xC80  }
0x8f: {  	[sflag:s31] =	ssyncset.done $0x0  }
0x90: {  	[sflag:s31] =	ssyncadd.s32 $0xFFFFF380  }
0x91: {  	_ =	swait.ge [sflag:s31], $0xC80  }
0x92: {  	[sflag:s31] =	ssyncset.done $0x0  }
0x93: {  	[sflag:s31] =	ssyncadd.s32 $0xFFFFF380  }
0x94: {  	_ =	swait.ge [sflag:s31], $0xC80  }
0x95: {  	[sflag:s31] =	ssyncset.done $0x0  }
0x96: {  	[sflag:s31] =	ssyncadd.s32 $0xFFFFF380  }
0x97: {  	_ =	swait.ge [sflag:s31], $0xC80  }
0x98: {  	[sflag:s31] =	ssyncset.done $0x0  }
0x99: {  	[sflag:s31] =	ssyncadd.s32 $0xFFFFF380  }
0x9a: {  	_ =	swait.ge [sflag:s31], $0xC80  }
0x9b: {  	[sflag:s31] =	ssyncset.done $0x0  }
0x9c: {  	[sflag:s31] =	ssyncadd.s32 $0xFFFFF380  }
0x9d: {  	_ =	swait.ge [sflag:s31], $0xC80  }
0x9e: {  	[sflag:s31] =	ssyncset.done $0x0  }
0x9f: {  	[sflag:s31] =	ssyncadd.s32 $0xFFFFF380  }
0xa0: {  	_ =	swait.ge [sflag:s31], $0xC80  }
0xa1: {  	[sflag:s31] =	ssyncset.done $0x0  }
0xa2: {  	[sflag:s31] =	ssyncadd.s32 $0xFFFFF380  }
0xa3: {  	_ =	swait.ge [sflag:s31], $0xC80  }
0xa4: {  	s4 =	sadd.s32 $0x1900, s8;
	[sflag:s31] =	ssyncset.done $0x0  }
0xa5: {  	s5 =	sadd.s32 $0xC80, s8;
	s26 =	simm.s32 $0x1A00;
	[sflag:s31] =	ssyncadd.s32 $0xFFFFF380  }
.LBB2_2:
0xa6: {  	[hbm4b:s5+s2] =	stream.linear.scatter [tilespmem:s11], [sflag:$0x3], $0x6400, $0x38;
	[tilespmem:$0x19800] =	vst v63  }
0xa7: {  	s5 =	smov.u32 s26  }
0xa8: {  	p0 =	sne.s32 s26, $0x30C00;
	s26 =	sadd.s32 $0x1A00, s26;
	_ =	swait.ge [sflag:s0], $0x6400  }
0xa9: {  	s5 =	sshra.s32 s5, $0x2;
	[sflag:s0] =	ssyncset.done $0x0  }
0xaa: {  	s6 =	sadd.s32 $0x680, s5;
	[sflag:s0] =	ssyncadd.s32 $0xFFFF9C00  }
0xab: {  	[tilespmem:s11], [sflag:$0x1] =	stream.indirect.gather [hbm4b:s3+s10], $0x20, s6, s10, $0xb8;
	[tilespmem:$0x19800] =	vst v63  }
0xac: {  	s6 =	sadd.s32 $0x6E8, s5  }
0xad: {  	[tilespmem:s13], [sflag:$0x1] =	stream.indirect.gather [hbm4b:s3+s10], $0x20, s6, s10, $0xb8;
	[tilespmem:$0x19800] =	vst v63  }
0xae: {  	s6 =	sadd.s32 $0x750, s5  }
0xaf: {  	[tilespmem:s15], [sflag:$0x1] =	stream.indirect.gather [hbm4b:s3+s10], $0x20, s6, s10, $0xb8;
	[tilespmem:$0x19800] =	vst v63  }
0xb0: {  	s6 =	sadd.s32 $0x7B8, s5  }
0xb1: {  	[tilespmem:s17], [sflag:$0x1] =	stream.indirect.gather [hbm4b:s3+s10], $0x20, s6, s10, $0xb8;
	[tilespmem:$0x19800] =	vst v63  }
0xb2: {  	s6 =	sadd.s32 $0x820, s5  }
0xb3: {  	[tilespmem:s19], [sflag:$0x1] =	stream.indirect.gather [hbm4b:s3+s10], $0x20, s6, s10, $0xb8;
	[tilespmem:$0x19800] =	vst v63  }
0xb4: {  	s6 =	sadd.s32 $0x888, s5  }
0xb5: {  	[tilespmem:s21], [sflag:$0x1] =	stream.indirect.gather [hbm4b:s3+s10], $0x20, s6, s10, $0xb8;
	[tilespmem:$0x19800] =	vst v63  }
0xb6: {  	s6 =	sadd.s32 $0x8F0, s5  }
0xb7: {  	[tilespmem:s23], [sflag:$0x1] =	stream.indirect.gather [hbm4b:s3+s10], $0x20, s6, s10, $0xb8;
	[tilespmem:$0x19800] =	vst v63  }
0xb8: {  	s6 =	sadd.s32 $0x958, s5  }
0xb9: {  	[tilespmem:s25], [sflag:$0x1] =	stream.indirect.gather [hbm4b:s3+s10], $0x20, s6, s10, $0xb8;
	[tilespmem:$0x19800] =	vst v63  }
0xba: {  	_ =	swait.ge [sflag:s14], $0xC80  }
0xbb: {  	[sflag:s14] =	ssyncset.done $0x0  }
0xbc: {  	[sflag:s14] =	ssyncadd.s32 $0xFFFFF380  }
0xbd: {  	_ =	swait.ge [sflag:s14], $0xC80  }
0xbe: {  	[sflag:s14] =	ssyncset.done $0x0  }
0xbf: {  	[sflag:s14] =	ssyncadd.s32 $0xFFFFF380  }
0xc0: {  	_ =	swait.ge [sflag:s14], $0xC80  }
0xc1: {  	[sflag:s14] =	ssyncset.done $0x0  }
0xc2: {  	[sflag:s14] =	ssyncadd.s32 $0xFFFFF380  }
0xc3: {  	_ =	swait.ge [sflag:s14], $0xC80  }
0xc4: {  	[sflag:s14] =	ssyncset.done $0x0  }
0xc5: {  	[sflag:s14] =	ssyncadd.s32 $0xFFFFF380  }
0xc6: {  	_ =	swait.ge [sflag:s14], $0xC80  }
0xc7: {  	[sflag:s14] =	ssyncset.done $0x0  }
0xc8: {  	[sflag:s14] =	ssyncadd.s32 $0xFFFFF380  }
0xc9: {  	_ =	swait.ge [sflag:s14], $0xC80  }
0xca: {  	[sflag:s14] =	ssyncset.done $0x0  }
0xcb: {  	[sflag:s14] =	ssyncadd.s32 $0xFFFFF380  }
0xcc: {  	_ =	swait.ge [sflag:s14], $0xC80  }
0xcd: {  	[sflag:s14] =	ssyncset.done $0x0  }
0xce: {  	[sflag:s14] =	ssyncadd.s32 $0xFFFFF380  }
0xcf: {  	_ =	swait.ge [sflag:s14], $0xC80  }
0xd0: {  	[sflag:s14] =	ssyncset.done $0x0  }
0xd1: {  	[sflag:s14] =	ssyncadd.s32 $0xFFFFF380  }
0xd2: {  	[hbm4b:s4+s2] =	stream.linear.scatter [tilespmem:s28], [sflag:$0x4], $0x6400, $0x38;
	[tilespmem:$0x19800] =	vst v63  }
0xd3: {  	_ =	swait.ge [sflag:s18], $0x6400  }
0xd4: {  	[sflag:s18] =	ssyncset.done $0x0  }
0xd5: {  	s6 =	sadd.s32 $0x9C0, s5;
	[sflag:s18] =	ssyncadd.s32 $0xFFFF9C00  }
0xd6: {  	[tilespmem:s28], [sflag:$0x2] =	stream.indirect.gather [hbm4b:s3+s10], $0x20, s6, s10, $0xb8;
	[tilespmem:$0x19800] =	vst v63  }
0xd7: {  	s6 =	sadd.s32 $0xA28, s5  }
0xd8: {  	[tilespmem:s30], [sflag:$0x2] =	stream.indirect.gather [hbm4b:s3+s10], $0x20, s6, s10, $0xb8;
	[tilespmem:$0x19800] =	vst v63  }
0xd9: {  	s6 =	sadd.s32 $0xA90, s5  }
0xda: {  	[tilespmem:s1], [sflag:$0x2] =	stream.indirect.gather [hbm4b:s3+s10], $0x20, s6, s10, $0xb8;
	[tilespmem:$0x19800] =	vst v63  }
0xdb: {  	s6 =	sadd.s32 $0xAF8, s5  }
0xdc: {  	[tilespmem:s12], [sflag:$0x2] =	stream.indirect.gather [hbm4b:s3+s10], $0x20, s6, s10, $0xb8;
	[tilespmem:$0x19800] =	vst v63  }
0xdd: {  	s6 =	sadd.s32 $0xB60, s5  }
0xde: {  	[tilespmem:s16], [sflag:$0x2] =	stream.indirect.gather [hbm4b:s3+s10], $0x20, s6, s10, $0xb8;
	[tilespmem:$0x19800] =	vst v63  }
0xdf: {  	s6 =	sadd.s32 $0xBC8, s5  }
0xe0: {  	[tilespmem:s20], [sflag:$0x2] =	stream.indirect.gather [hbm4b:s3+s10], $0x20, s6, s10, $0xb8;
	[tilespmem:$0x19800] =	vst v63  }
0xe1: {  	s6 =	sadd.s32 $0xC30, s5  }
0xe2: {  	[tilespmem:s24], [sflag:$0x2] =	stream.indirect.gather [hbm4b:s3+s10], $0x20, s6, s10, $0xb8;
	[tilespmem:$0x19800] =	vst v63  }
0xe3: {  	s5 =	sadd.s32 $0xC98, s5  }
0xe4: {  	[tilespmem:s29], [sflag:$0x2] =	stream.indirect.gather [hbm4b:s3+s10], $0x20, s5, s10, $0xb8;
	[tilespmem:$0x19800] =	vst v63  }
0xe5: {  	_ =	swait.ge [sflag:s31], $0xC80  }
0xe6: {  	[sflag:s31] =	ssyncset.done $0x0  }
0xe7: {  	[sflag:s31] =	ssyncadd.s32 $0xFFFFF380  }
0xe8: {  	_ =	swait.ge [sflag:s31], $0xC80  }
0xe9: {  	[sflag:s31] =	ssyncset.done $0x0  }
0xea: {  	[sflag:s31] =	ssyncadd.s32 $0xFFFFF380  }
0xeb: {  	_ =	swait.ge [sflag:s31], $0xC80  }
0xec: {  	[sflag:s31] =	ssyncset.done $0x0  }
0xed: {  	[sflag:s31] =	ssyncadd.s32 $0xFFFFF380  }
0xee: {  	_ =	swait.ge [sflag:s31], $0xC80  }
0xef: {  	[sflag:s31] =	ssyncset.done $0x0  }
0xf0: {  	[sflag:s31] =	ssyncadd.s32 $0xFFFFF380  }
0xf1: {  	_ =	swait.ge [sflag:s31], $0xC80  }
0xf2: {  	[sflag:s31] =	ssyncset.done $0x0  }
0xf3: {  	[sflag:s31] =	ssyncadd.s32 $0xFFFFF380  }
0xf4: {  	_ =	swait.ge [sflag:s31], $0xC80  }
0xf5: {  	[sflag:s31] =	ssyncset.done $0x0  }
0xf6: {  	[sflag:s31] =	ssyncadd.s32 $0xFFFFF380  }
0xf7: {  	_ =	swait.ge [sflag:s31], $0xC80  }
.Ltmp0:
0xf8: {  	[sflag:s31] =	ssyncset.done $0x0;
	(pc) =	sbr.rel @p0 .LBB2_2-.Ltmp0, $4  }
0xf9: {  	[sflag:s31] =	ssyncadd.s32 $0xFFFFF380  }
0xfa: {  	_ =	swait.ge [sflag:s31], $0xC80  }
0xfb: {  	[sflag:s31] =	ssyncset.done $0x0  }
0xfc: {  	s5 =	sadd.s32 $0xC80, s4;
	s4 =	sadd.s32 $0x1900, s4;
	[sflag:s31] =	ssyncadd.s32 $0xFFFFF380  }
0xfd: {  	[hbm4b:s5+s2] =	stream.linear.scatter [tilespmem:s11], [sflag:$0x3], $0x6400, $0x38;
	[tilespmem:$0x19800] =	vst v63  }
0xfe: {  	_ =	swait.ge [sflag:s14], $0xC80  }
0xff: {  	[sflag:s14] =	ssyncset.done $0x0  }
0x100: {  	[sflag:s14] =	ssyncadd.s32 $0xFFFFF380  }
0x101: {  	_ =	swait.ge [sflag:s14], $0xC80  }
0x102: {  	[sflag:s14] =	ssyncset.done $0x0  }
0x103: {  	[sflag:s14] =	ssyncadd.s32 $0xFFFFF380  }
0x104: {  	_ =	swait.ge [sflag:s14], $0xC80  }
0x105: {  	[sflag:s14] =	ssyncset.done $0x0  }
0x106: {  	[sflag:s14] =	ssyncadd.s32 $0xFFFFF380  }
0x107: {  	_ =	swait.ge [sflag:s14], $0xC80  }
0x108: {  	[sflag:s14] =	ssyncset.done $0x0  }
0x109: {  	[sflag:s14] =	ssyncadd.s32 $0xFFFFF380  }
0x10a: {  	_ =	swait.ge [sflag:s14], $0xC80  }
0x10b: {  	[sflag:s14] =	ssyncset.done $0x0  }
0x10c: {  	[sflag:s14] =	ssyncadd.s32 $0xFFFFF380  }
0x10d: {  	_ =	swait.ge [sflag:s14], $0xC80  }
0x10e: {  	[sflag:s14] =	ssyncset.done $0x0  }
0x10f: {  	[sflag:s14] =	ssyncadd.s32 $0xFFFFF380  }
0x110: {  	_ =	swait.ge [sflag:s14], $0xC80  }
0x111: {  	[sflag:s14] =	ssyncset.done $0x0  }
0x112: {  	[sflag:s14] =	ssyncadd.s32 $0xFFFFF380  }
0x113: {  	_ =	swait.ge [sflag:s14], $0xC80  }
0x114: {  	[sflag:s14] =	ssyncset.done $0x0  }
0x115: {  	s22 =	sadd.s32 $0x1, s22;
	s4 =	rddreg [dreg:$0x5];
	[sflag:s14] =	ssyncadd.s32 $0xFFFFF380  }
0x116: {  	[hbm4b:s4+s2] =	stream.linear.scatter [tilespmem:s28], [sflag:$0x4], $0x6400, $0x38;
	[tilespmem:$0x19800] =	vst v63  }
0x117: {  	p0 =	sne.s32 s22, s7;
	_ =	swait.ge [sflag:s0], $0x6400  }
.Ltmp1:
0x118: {  	[sflag:s0] =	ssyncset.done $0x0;
	(pc) =	sbr.rel @p0 .LBB2_1-.Ltmp1, $4  }
0x119: {  	[sflag:s0] =	ssyncadd.s32 $0xFFFF9C00  }
0x11a: {  	_ =	swait.ge [sflag:s18], $0x6400  }
0x11b: {  	[sflag:s18] =	ssyncset.done $0x0  }
0x11c: {  	[sflag:s18] =	ssyncadd.s32 $0xFFFF9C00  }
0x11d: {  	_ =	sfence.sel $0x180000  }
0x11e: {  	[bflag:$0x0] =	sbarrier.arrive $0xFFFF  }
0x11f: {  	_ =	strace $0x90000047  }
0x120: {  	s0 =	stileid.u32;
	[bflag:$0x2] =	sbarrier.arrive $0xFFFF  }
0x121: {  	p0 =	sne.s32 s0, $0x0;
	s0 =	rddreg [dreg:$0x2]  }
0x122: {  	s0 =	sadd.s32 @!p0 $0x100000, s0  }
0x123: {  	[sflag:s0] =	ssyncadd.tile.s32 @!p0 $0x1;
	_ =	shalt  }
.Lfunc_end2:
_tile_overlayer_lowered:
.L_overlay_start_2:
0x124: {  	(tag) =	ssettag $0x2  }
0x125: {  	s0 =	rddreg [dreg:$0x0];
	s2 =	stileid.u32  }
0x126: {  	s1 =	rddreg [dreg:$0x1];
	p0 =	sne.s32 s2, $0x0  }
0x127: {  	s3 =	rddreg [dreg:$0x2];
	[bflag:$0x3] =	sbarrier.arrive $0xFFFF;
	s2 =	simm.s32 @!p0 $0x1C05  }
0x128: {  	[timem:s3], [sflag:s2] =	dma.local @!p0 [hbm:s0], s1  }
0x129: {  	s0 =	simm.s32 @!p0 $0x5  }
0x12a: {  	_ =	swait.ge @!p0 [sflag:s0], s1  }
0x12b: {  	s1 =	ssub.s32 @!p0 $0x0, s1;
	[sflag:s0] =	ssyncset.done @!p0 $0x0  }
0x12c: {  	[sflag:s0] =	ssyncadd.s32 @!p0 s1  }
0x12d: {  	[bflag:$0x3] =	sbarrier.arrive $0xFFFF  }
0x12e: {  	_ =	shalt  }

// kernel: sparse-core-data-format-call.cloned.1.call-start
scs
called_computation_lowered:
.L_overlay_start_0:
0x0: {  	s2 =	sld [smem:$0x3FD9]  }
0x1: {  	s3 =	sld [smem:$0x3FFE];
	_ =	sdelay $0x1  }
0x2: {  	s1 =	srdreg.scid  }
0x3: {  	s0 =	sand.u32 $0x1, s1  }
0x4: {  	s18 =	sshll.u32 s0, $0xA;
	s2 =	sadd.s32 s3, s2  }
0x5: {  	s2 =	sadd.s32 s2, s18  }
0x6: {  	[smem:$0x3FC6] =	sst s2  }
0x7: {  	_ = 	snop  }
0x8: {  	s2 =	sld [smem:$0x3FD0];
	(tm) =	ssettm $0x1  }
0x9: {  	s19 =	sld [smem:$0x3FFB];
	_ =	sdelay $0x3  }
0xa: {  	_ =	strace s19  }
0xb: {  	s3 =	sld [smem:$0x3FFC];
	_ =	sdelay $0x3  }
0xc: {  	_ =	strace s3  }
0xd: {  	s3 =	sld [smem:$0x3FFD];
	_ =	sdelay $0x3  }
0xe: {  	_ =	strace s3  }
0xf: {  	_ =	strace $0x8FFFFFFF  }
0x10: {  	s20 =	sld [smem:$0x3FDB];
	_ =	sdelay $0x1  }
0x11: {  	s4 =	simm.s32 $_scs_section_size  }
0x12: {  	s5 =	simm.s32 $_size__tile_overlayer_lowered;
	s6 =	simm.s32 $_tile_overlayer_lowered  }
0x13: {  	s23 =	simm.s32 $0x1BFF;
	s22 =	sshll.u32 s6, $0x1;
	s3 =	sadd.s32 s4, s20  }
0x14: {  	s7 =	simm.s32 $0x0;
	s21 =	sshll.u32 s5, $0x1;
	s5 =	sadd.s32 s22, s3  }
0x15: {  	[timem:s7], [sflag:s23] =	dma.local [hbm:s5], s21  }
0x16: {  	_ =	swait.ge [sflag:s23], s21  }
0x17: {  	s4 =	ssub.s32 $0x0, s21;
	[sflag:s23] =	ssyncset.done $0x0  }
0x18: {  	[sflag:s23] =	ssyncadd.s32 s4;
	_ =	sdelay $0x1  }
0x19: {  	s24 =	simm.s32 $0x1B8B  }
0x1a: {  	_ =	swait.ge [sflag:s24], $0x1  }
0x1b: {  	[sflag:s24] =	ssyncset.done $0x0  }
0x1c: {  	s26 =	simm.s32 $0x1B8E;
	s25 =	sld [smem:$0x3FFE];
	[sflag:s24] =	ssyncadd.s32 $0xFFFFFFFF  }
0x1d: {  	s27 =	simm.s32 $execute0_lowered;
	[smem:$0x3FD2] =	sst s26  }
0x1e: {  	s5 =	sshll.u32 s27, $0x1;
	_ =	strace $0x80000049;
	[dreg:$0x1] =	wrdreg $0xFFFFFFFF  }
0x1f: {  	s28 =	simm.s32 $_size_execute0_lowered;
	s3 =	sadd.s32 s3, s5;
	[dreg:$0x0] =	wrdreg $0x0  }
0x20: {  	s5 =	sshll.u32 s28, $0x1;
	[dreg:$0x2] =	wrdreg s3  }
0x21: {  	[dreg:$0x3] =	wrdreg s5  }
0x22: {  	[dreg:$0x4] =	wrdreg $0xC0  }
0x23: {  	_ =	task [dreg:s7], $0x5FFFF  }
0x24: {  	[dreg:$0x1] =	wrdreg $0xFFFFFFFF  }
0x25: {  	[dreg:$0x0] =	wrdreg $0x60  }
0x26: {  	[dreg:$0x2] =	wrdreg s25  }
0x27: {  	[dreg:$0x3] =	wrdreg s2  }
0x28: {  	[dreg:$0x4] =	wrdreg $0x9  }
0x29: {  	_ =	task.clear_ibuf [dreg:s7], $0x5FFFF;
	_ =	strace $0x90000049  }
0x2a: {  	s29 =	simm.s32 $0x9;
	_ =	strace $0x8000004B  }
0x2b: {  	_ =	swait.ge [sflag:s29], $0x1  }
0x2c: {  	[sflag:s29] =	ssyncadd.s32 $0xFFFFFFFF  }
0x2d: {  	_ =	strace $0x9000004B  }
0x2e: {  	_ =	sfence  }
0x2f: {  	s30 =	sld [smem:$0x0];
	_ =	sdelay $0x2  }
0x30: {  	s31 =	sshll.u32 s1, $0xD;
	s1 =	sshrl.u32 s1, $0x2  }
0x31: {  	s3 =	sand.u32 $0x4000, s31;
	s1 =	sadd.s32 s1, s30  }
0x32: {  	s0 =	sor.u32 s3, s0;
	s1 =	sshll.u32 s1, $0x11  }
0x33: {  	s0 =	sor.u32 s1, s0  }
0x34: {  	s0 =	sadd.s32 $0x8F2B, s0  }
0x35: {  	[sflag:s0] =	ssyncadd.remote.s32 $0x1  }
0x36: {  	_ =	sfence.sel $0xFFFF  }
0x37: {  	[dreg:$0x0] =	wrdreg $0xFFFFFFFF;
	(pc) =	sbr.abs _section_cstart, $3  }
0x38: {  	[dreg:$0x1] =	wrdreg $0xFFFFFFFF  }
0x39: {  	_ =	task.clear_ibuf [dreg:s7], $0x2FFFF;
	_ =	strace $0x9FFFFFFF  }
0x3a: {  	(tm) =	ssettm $0x7FFFFFFF  }
0x3b: {  	_ =	shalt  }
tec
execute0_lowered:
.L_overlay_start_1:
0x0: {  	(tag) =	ssettag $0x1  }
0x1: {  	s0 =	srdreg.scid  }
0x2: {  	s1 =	sshll.u32 s0, $0x4  }
0x3: {  	s0 =	stileid.u32;
	s1 =	sand.u32 $0x10, s1  }
0x4: {  	s1 =	sor.u32 s0, s1  }
0x5: {  	s6 =	rddreg [dreg:$0x0];
	s4 =	simm.s32 $0x1;
	s2 =	sshll.u32 s1, $0x7  }
0x6: {  	s7 =	simm.s32 $0x2;
	s12 =	simm.s32 $0x0;
	s1 =	ssub.s32 $0x4000, s2  }
0x7: {  	s8 =	simm.s32 $0x20000;
	s13 =	simm.s32 $0x0;
	s3 =	sand.u32 $0xF80, s1  }
0x8: {  	s9 =	simm.s32 $0x0;
	s5 =	sshrl.u32 s1, $0xC;
	p0 =	sne.s32 s3, $0x0  }
.Ltmp0:
0x9: {  	s1 =	rddreg [dreg:$0x2];
	s4 =	simm.s32 @!p0 $0x0;
	(pc) =	sbr.rel .LBB1_1-.Ltmp0, $4  }
0xa: {  	s11 =	simm.s32 $0x0;
	s3 =	rddreg [dreg:$0x1];
	s5 =	sadd.s32 s4, s5  }
0xb: {  	_ =	strace $0x8000004A;
	s4 =	simm.s32 $0x1;
	s5 =	smul.u32 $0x64, s5  }
0xc: {  	s6 =	sadd.s32 $0x800, s6;
	s10 =	smov.u32 s2;
	[sflag:s4] =	ssyncpa.u1 $0x0  }
0xd: {  	p0 =	por $0x0, $0x0;
	[sflag:s7] =	ssyncpa.u1 $0x0;
	s7 =	sor.u32 $0x1, s5  }
.LBB1_4:
0xe: {  	s16 =	sshll.u32 s13, $0x3;
	s17 =	sand.u32 $0x78, s13  }
0xf: {  	s30 =	sand.u32 $0xF800, s13;
	s12 =	sshll.u32 s12, $0x10;
	s16 =	sand.u32 $0x3C00, s16  }
0x10: {  	s31 =	sand.u32 $0x7, s13;
	s16 =	sor.u32 s17, s16;
	s17 =	sadd.s32 s3, s30  }
0x11: {  	s13 =	sshll.u32 s31, $0x12;
	s16 =	sshrl.u32 s16, $0x3;
	s12 =	sadd.s32 s12, s17  }
0x12: {  	[tilespmem:s15+$0x0 ss:$0x81] =	vst.msk $0xffff, v0;
	s13 =	sor.u32 $0x400, s13;
	s12 =	sadd.s32 s16, s12  }
0x13: {  	[hbm4b:s12+s13] =	stream.strided.scatter [tilespmem:s14], [sflag:$0x2], $0x1000, s8, s13, $0x20;
	[tilespmem:$0x4040] =	vst v63  }
.LBB1_5:
0x14: {  	s14 =	sadd.s32 $0x1, s9  }
0x15: {  	s12 =	sadd.s32 $0x1000, s10;
	s16 =	smov.u32 s10;
	p2 =	sgt.s32 s14, $0x63  }
0x16: {  	s16 =	smov.u32 @p2 s12  }
0x17: {  	s14 =	simm.s32 @p2 $0x0;
	p2 =	sgt.s32 s16, $0x3FFF  }
0x18: {  	s16 =	smov.u32 @p2 s2;
	p2 =	sne.s32 s11, s7  }
.Ltmp1:
0x19: {  	p1 =	slt.u32 s11, $0x2;
	(pc) =	sbr.rel @!p2 .LBB1_6-.Ltmp1, $4  }
0x1a: {  	s15 =	simm.s32 @!p1 $0x2  }
0x1b: {  	s13 =	smov.u32 s10;
	p0 =	por !p0, !p0;
	_ =	swait.ge @!p1 [sflag:s15], $0x1000  }
0x1c: {  	s12 =	smov.u32 s9;
	[sflag:s15] =	ssyncset.done @!p1 $0x0;
	s9 =	smov.u32 s14  }
0x1d: {  	s11 =	sadd.s32 $0x1, s11;
	[sflag:s15] =	ssyncadd.s32 @!p1 $0xFFFFF000;
	s10 =	smov.u32 s16  }
.LBB1_1:
0x1e: {  	p1 =	sge.u32 s11, s5  }
0x1f: {  	s14 =	sand.u32 @!p1 $0x1FFFFFF, s9  }
0x20: {  	s15 =	smulhi.u32 @!p1 $0x2762763, s14;
	_ =	sdelay $0x1  }
0x21: {  	s15 =	smul.u32 @!p1 $0x68, s15  }
0x22: {  	s16 =	sxor.u32 @!p1 $0xFFFFFFFF, s11;
	s17 =	smul.u32 @!p1 $0x680, s10  }
0x23: {  	s31 =	sadd.s32 $0xFFFFFFFF, s11;
	s16 =	sshll.u32 @!p1 s16, $0xC;
	s14 =	ssub.s32 @!p1 s14, s15  }
0x24: {  	s15 =	sand.u32 @!p1 $0x1000, s16;
	s16 =	sadd.s32 @!p1 s6, s17;
	s14 =	sshll.u32 @!p1 s14, $0x4  }
0x25: {  	s17 =	simm.s32 @!p1 $0x3400;
	s14 =	sadd.s32 @!p1 s14, s16;
	s16 =	simm.s32 @!p1 $0x20  }
0x26: {  	[tilespmem:s15], [sflag:$0x1] =	stream.strided.gather @!p1 [hbm4b:s14+s16], $0x1000, s17, s16, $0x38;
	[tilespmem:$0x4040] =	vst v63  }
0x27: {  	p1 =	sge.u32 s31, s5  }
.Ltmp2:
0x28: {  	_ = 	snop;
	(pc) =	sbr.rel @p1 .LBB1_5-.Ltmp2, $1  }
0x29: {  	_ =	sdelay $0x3  }
0x2a: {  	s14 =	simm.s32 $0x1  }
0x2b: {  	_ =	swait.ge [sflag:s4], $0x1000;
	s14 =	simm.s32 @!p0 $0x0  }
0x2c: {  	[sflag:s4] =	ssyncset.done $0x0;
	s15 =	sshll.u32 s14, $0xC  }
0x2d: {  	[sflag:s4] =	ssyncadd.s32 $0xFFFFF000;
	s18 =	sor.u32 $0x10, s15  }
0x2e: {  	s14 =	smul.u32 $0x4080, s14;
	v1 =	vld [tilespmem:s18+$0x0]  }
0x2f: {  	s30 =	sand.u32 $0x1, s11;
	v0 =	vld [tilespmem:s18+$0xFFFFFFF0]  }
0x30: {  	s15 =	smul.u32 $0x4080, s30;
	s14 =	sshrl.u32 s14, $0x2  }
0x31: {  	s16 =	sor.u32 $0x2000, s14  }
0x32: {  	s31 =	sshrl.u32 s15, $0x2;
	s15 =	sadd.s32 $0x0, s16  }
0x33: {  	s17 =	simm.s32 $0x4;
	s18 =	sadd.s32 $0x20, s18;
	s14 =	sor.u32 $0x2000, s31;
	[tilespmem:s15+$0x810 ss:$0x81] =	vst.msk $0xffff, v1  }
.LBB1_3:
0x34: {  	v1 =	vld [tilespmem:s18+$0x0];
	p1 =	sne.s32 s17, $0x1FC;
	[tilespmem:s15+$0x0 ss:$0x81] =	vst.msk $0xffff, v0;
	s15 =	smov.u32 s17;
	s17 =	sadd.s32 $0x4, s17  }
.Ltmp3:
0x35: {  	v0 =	vld [tilespmem:s18+$0xFFFFFFF0];
	(pc) =	sbr.rel @p1 .LBB1_3-.Ltmp3, $4  }
0x36: {  	_ = 	snop  }
0x37: {  	s15 =	sshra.s32 s15, $0x2  }
0x38: {  	s15 =	sadd.s32 s15, s16  }
0x39: {  	s18 =	sadd.s32 $0x20, s18;
	[tilespmem:s15+$0x810 ss:$0x81] =	vst.msk $0xffff, v1  }
.Ltmp4:
0x3a: {  	_ = 	snop;
	(pc) =	sbr.rel .LBB1_4-.Ltmp4, $1  }
0x3b: {  	_ =	sdelay $0x3  }
.LBB1_6:
0x3c: {  	_ =	sfence.sel $0x180000  }
0x3d: {  	s2 =	simm.s32 $0x1;
	[bflag:$0x0] =	sbarrier.arrive $0xFFFF  }
0x3e: {  	s31 =	simm.s32 $0x2;
	[sflag:s2] =	ssyncpa.u1 $0x1  }
0x3f: {  	[sflag:s31] =	ssyncpa.u1 $0x1  }
0x40: {  	p0 =	sne.s32 s0, $0x0;
	_ =	strace $0x9000004A  }
0x41: {  	s0 =	sadd.s32 @!p0 $0x100000, s1;
	[bflag:$0x2] =	sbarrier.arrive $0xFFFF  }
0x42: {  	[sflag:s0] =	ssyncadd.tile.s32 @!p0 $0x1;
	_ =	shalt  }
.Lfunc_end1:
_tile_overlayer_lowered:
.L_overlay_start_2:
0x43: {  	(tag) =	ssettag $0x2  }
0x44: {  	s0 =	rddreg [dreg:$0x0];
	s2 =	stileid.u32  }
0x45: {  	s1 =	rddreg [dreg:$0x1];
	p0 =	sne.s32 s2, $0x0  }
0x46: {  	s3 =	rddreg [dreg:$0x2];
	[bflag:$0x3] =	sbarrier.arrive $0xFFFF;
	s2 =	simm.s32 @!p0 $0x1C01  }
0x47: {  	[timem:s3], [sflag:s2] =	dma.local @!p0 [hbm:s0], s1  }
0x48: {  	s0 =	simm.s32 @!p0 $0x1  }
0x49: {  	_ =	swait.ge @!p0 [sflag:s0], s1  }
0x4a: {  	s1 =	ssub.s32 @!p0 $0x0, s1;
	[sflag:s0] =	ssyncset.done @!p0 $0x0  }
0x4b: {  	[sflag:s0] =	ssyncadd.s32 @!p0 s1  }
0x4c: {  	[bflag:$0x3] =	sbarrier.arrive $0xFFFF  }
0x4d: {  	_ =	shalt  }

</sc_bundles>
